<compile_context>
chip_gen: v7x
topology: tpu7x:2x2x1
jax: 0.10.2.dev20260603
libtpu: 0.0.44.dev20260713+nightly
codegen_flags: <defaults>
</compile_context>

<pallas_src>
import jax
import jax.numpy as jnp
from jax import lax
from jax.experimental import pallas as pl
from jax.experimental.pallas import tpu as pltpu
from jax.experimental.pallas import tpu_sc as plsc

N = 50000
IN_CH = 512
E = 50000
ALPHA = 0.2

NSUB = 16
CHUNK = 3136
LAST = E - (NSUB - 1) * CHUNK
VPC = CHUNK // 16
VPC_LAST = LAST // 16

BLK = 5000


def _matvec_body(x_ref, w_ref, aw_ref, abias_ref, o_ref, ab_ref):
    xb = x_ref[...].astype(jnp.bfloat16).astype(jnp.float32)
    wb = w_ref[...].astype(jnp.bfloat16).astype(jnp.float32)
    o_ref[...] = jnp.sum(xb * wb, axis=1, keepdims=True)

    @pl.when(pl.program_id(0) == 0)
    def _():
        lanes = lax.broadcasted_iota(jnp.int32, (1, 32), 1)
        ab_ref[...] = jnp.where(lanes < 16, aw_ref[0, 0], abias_ref[0, 0])


def _sc_body(xr_hbm, ei_hbm, ab_hbm, out_hbm,
             xr_v, row_v, col_v, out_v, ab_v, stage_v, red_v,
             sh_s, sem_tab, sem_idx, sem_ab):
    wid = lax.axis_index("s")
    base = wid * CHUNK
    last = wid == NSUB - 1
    nv = jnp.where(last, VPC_LAST, VPC)

    cp_tab = pltpu.async_copy(xr_hbm, xr_v, sem_tab)
    cp_ab = pltpu.async_copy(ab_hbm, ab_v, sem_ab)

    @pl.when(last)
    def _():
        pltpu.async_copy(ei_hbm.at[pl.ds(base, LAST)],
                         row_v.at[pl.ds(0, LAST)], sem_idx).wait()
        pltpu.async_copy(ei_hbm.at[pl.ds(E + base, LAST)],
                         col_v.at[pl.ds(0, LAST)], sem_idx).wait()

    @pl.when(jnp.logical_not(last))
    def _():
        pltpu.async_copy(ei_hbm.at[pl.ds(base, CHUNK)], row_v,
                         sem_idx).wait()
        pltpu.async_copy(ei_hbm.at[pl.ds(E + base, CHUNK)], col_v,
                         sem_idx).wait()

    cp_tab.wait()
    cp_ab.wait()
    a = ab_v[pl.ds(0, 16)]
    b = ab_v[pl.ds(16, 16)]

    def ex_vreg(off):
        ir = row_v[pl.ds(off, 16)]
        ic = col_v[pl.ds(off, 16)]
        gr = plsc.load_gather(xr_v, [ir])
        gc = plsc.load_gather(xr_v, [ic])
        s = (a * gr + b) * gc
        t = jnp.maximum(s, jnp.float32(ALPHA) * s)
        ex = jnp.exp(t)
        xv = xr_v[pl.ds(base + off, 16)]
        return ex, ex * xv

    n4 = nv // 4

    def p1(j, carry):
        s0, s1 = carry
        off = j * 64
        for k in range(4):
            e0, e1 = ex_vreg(off + k * 16)
            s0 = s0 + e0
            s1 = s1 + e1
        return s0, s1

    s0, s1 = lax.fori_loop(
        0, n4, p1,
        (jnp.zeros((16,), jnp.float32), jnp.zeros((16,), jnp.float32)))
    for k in range(3):
        jv = n4 * 4 + k
        live = (jv < nv).astype(jnp.float32)
        e0, e1 = ex_vreg(jnp.minimum(jv, nv - 1) * 16)
        s0 = s0 + live * e0
        s1 = s1 + live * e1

    slot = wid * 32
    stage_v[pl.ds(0, 16)] = jnp.broadcast_to(jnp.sum(s0), (16,))
    stage_v[pl.ds(16, 16)] = jnp.broadcast_to(jnp.sum(s1), (16,))
    pltpu.sync_copy(stage_v, sh_s.at[pl.ds(slot, 32)])
    plsc.subcore_barrier()

    pltpu.sync_copy(sh_s, red_v)
    den = red_v[pl.ds(0, 16)]
    num = red_v[pl.ds(16, 16)]
    for r in range(1, NSUB):
        den = den + red_v[pl.ds(r * 32, 16)]
        num = num + red_v[pl.ds(r * 32 + 16, 16)]
    cvec = num / den

    def p3(j, carry):
        out_v[pl.ds(j * 16, 16)] = cvec
        return carry

    lax.fori_loop(0, nv, p3, 0)

    @pl.when(last)
    def _():
        pltpu.sync_copy(out_v.at[pl.ds(0, LAST)],
                        out_hbm.at[pl.ds(base, LAST)])

    @pl.when(jnp.logical_not(last))
    def _():
        pltpu.sync_copy(out_v, out_hbm.at[pl.ds(base, CHUNK)])


_sc_call = pl.kernel(
    _sc_body,
    out_type=jax.ShapeDtypeStruct((N,), jnp.float32),
    mesh=plsc.VectorSubcoreMesh(
        core_axis_name="c", subcore_axis_name="s", num_cores=1),
    compiler_params=pltpu.CompilerParams(needs_layout_passes=False),
    scratch_types=[
        pltpu.VMEM((N,), jnp.float32),
        pltpu.VMEM((CHUNK,), jnp.int32),
        pltpu.VMEM((CHUNK,), jnp.int32),
        pltpu.VMEM((CHUNK,), jnp.float32),
        pltpu.VMEM((32,), jnp.float32),
        pltpu.VMEM((32,), jnp.float32),
        pltpu.VMEM((NSUB * 32,), jnp.float32),
        pltpu.VMEM_SHARED((NSUB * 32,), jnp.float32),
        pltpu.SemaphoreType.DMA,
        pltpu.SemaphoreType.DMA,
        pltpu.SemaphoreType.DMA,
    ],
)


def kernel(x, edge_index, W, attn_weight, attn_bias):
    xr2, ab2 = pl.pallas_call(
        _matvec_body,
        grid=(N // BLK,),
        in_specs=[
            pl.BlockSpec((BLK, IN_CH), lambda i: (i, 0)),
            pl.BlockSpec((1, IN_CH), lambda i: (0, 0)),
            pl.BlockSpec(memory_space=pltpu.SMEM),
            pl.BlockSpec(memory_space=pltpu.SMEM),
        ],
        out_specs=[
            pl.BlockSpec((BLK, 1), lambda i: (i, 0)),
            pl.BlockSpec((1, 32), lambda i: (0, 0)),
        ],
        out_shape=[
            jax.ShapeDtypeStruct((N, 1), jnp.float32),
            jax.ShapeDtypeStruct((1, 32), jnp.float32),
        ],
    )(x, W, attn_weight.reshape(1, 1), attn_bias.reshape(1, 1))
    out = _sc_call(xr2.reshape(N), edge_index.reshape(2 * E),
                   ab2.reshape(32))
    return out.reshape(N, 1)

# --- scband reference (transcript-rebuilt; emitter-appended) ---
"""Pipeline reference for scband-hypergraph-attention-layer-81905026335349 (READ-ONLY COPY).

The authoritative reference and input builder live on the scoring server;
editing this copy changes nothing except your own understanding.
"""

import jax, jax.numpy as jnp
import numpy as np

N = 50000
IN_CH = 512
E = 50000
HEADS = 1
OUT_CH = 1
ALPHA = 0.2


def setup_inputs(seed: int = 0) -> dict:
    key = jax.random.key(seed)
    k1, k2, k3, k4 = jax.random.split(key, 4)
    x = jax.random.normal(k1, (N, IN_CH), dtype=jnp.float32)
    edge_index = jax.random.randint(k2, (2, E), 0, N, dtype=jnp.int32)
    # nn.Linear weight: [out_features, in_features] = [heads*out_channels, in_channels]
    W = jax.random.normal(k3, (HEADS * OUT_CH, IN_CH), dtype=jnp.float32) * (1.0 / np.sqrt(IN_CH))
    # attn_weight xavier-uniform init, attn_bias zeros (per module __init__)
    limit = np.sqrt(6.0 / (HEADS + OUT_CH))
    attn_weight = jax.random.uniform(k4, (1, HEADS, OUT_CH), dtype=jnp.float32, minval=-limit, maxval=limit)
    attn_bias = jnp.zeros((1, HEADS, OUT_CH), dtype=jnp.float32)
    return {"x": x, "edge_index": edge_index, "W": W, "attn_weight": attn_weight, "attn_bias": attn_bias}


def reference(x, edge_index, W, attn_weight, attn_bias):
    # x = self.linear(x)  (no bias)
    x = x @ W.T                                   # [N, heads*out_ch] = [N, 1]
    row = edge_index[0]
    col = edge_index[1]
    # torch.matmul(x[row], attn_weight): [E,1] @ [1,1,1] -> [1,E,1]
    edge_attr = jnp.matmul(x[row], attn_weight) + attn_bias   # [1, E, 1]
    attn_scores = jnp.sum(edge_attr * x[col], axis=-1)        # [1, E]
    attn_scores = jax.nn.leaky_relu(attn_scores, negative_slope=ALPHA)
    attn_scores = jax.nn.softmax(attn_scores, axis=1)         # softmax over all E edges
    out = jnp.zeros_like(x)                                   # [N, 1]
    for _ in range(HEADS):
        # [1, E] @ [N, 1] requires E == N -> [1, 1]; broadcast-add to [N, 1]
        out = out + jnp.matmul(attn_scores, x)
    return out

if __name__ == "__main__":
    import jax
    _d = setup_inputs()
    print(jax.jit(kernel)(*tuple(_d.values())))

</pallas_src>

<mosaic_0001>
#map = affine_map<(d0, d1) -> (0)>
module attributes {stable_mosaic.version = 14 : i64} {
  func.func @_sc_body(%arg0: i32, %arg1: i32, %arg2: memref<50000xf32, #tpu.memory_space<hbm>>, %arg3: memref<100000xi32, #tpu.memory_space<hbm>>, %arg4: memref<32xf32, #tpu.memory_space<hbm>>, %arg5: memref<50000xf32, #tpu.memory_space<hbm>>, %arg6: memref<50000xf32, #tpu.memory_space<vmem>>, %arg7: memref<3136xi32, #tpu.memory_space<vmem>>, %arg8: memref<3136xi32, #tpu.memory_space<vmem>>, %arg9: memref<3136xf32, #tpu.memory_space<vmem>>, %arg10: memref<32xf32, #tpu.memory_space<vmem>>, %arg11: memref<32xf32, #tpu.memory_space<vmem>>, %arg12: memref<512xf32, #tpu.memory_space<vmem>>, %arg13: memref<512xf32, #tpu.memory_space<vmem_shared>>, %arg14: memref<!tpu.dma_semaphore, #tpu.memory_space<semaphore_mem>>, %arg15: memref<!tpu.dma_semaphore, #tpu.memory_space<semaphore_mem>>, %arg16: memref<!tpu.dma_semaphore, #tpu.memory_space<semaphore_mem>>) attributes {dimension_semantics = [#tpu.dimension_semantics<core_parallel>, #tpu.dimension_semantics<subcore_parallel>], iteration_bounds = array<i64: 1, 16>, scalar_prefetch = 0 : i64, scratch_operands = 11 : i64, tpu.core_type = #tpu.core_type<sc_vector_subcore>, window_params = [{transform_indices = #map}, {transform_indices = #map}, {transform_indices = #map}, {transform_indices = #map}]} {
    %mul3A = arith.constant 3136 : i32
    %mul3A_0 = arith.muli %arg1, %mul3A : i32
    %eq3A = arith.constant 15 : i32
    %eq3A_1 = arith.cmpi eq, %arg1, %eq3A : i32
    %jit3A = arith.constant 185 : i32
    %jit3A_2 = arith.constant 196 : i32
    %select_n3A = arith.select %eq3A_1, %jit3A, %jit3A_2 : i32
    tpu.enqueue_dma source(%arg2 : memref<50000xf32, #tpu.memory_space<hbm>>) target(%arg6 : memref<50000xf32, #tpu.memory_space<vmem>>) target_semaphore(%arg14 : memref<!tpu.dma_semaphore, #tpu.memory_space<semaphore_mem>>)
    tpu.enqueue_dma source(%arg4 : memref<32xf32, #tpu.memory_space<hbm>>) target(%arg10 : memref<32xf32, #tpu.memory_space<vmem>>) target_semaphore(%arg16 : memref<!tpu.dma_semaphore, #tpu.memory_space<semaphore_mem>>)
    %convert_element_type3A = arith.extui %eq3A_1 : i1 to i32
    %cond3A = arith.constant 0 : i32
    %cond3A_3 = arith.cmpi ne, %convert_element_type3A, %cond3A : i32
    scf.if %cond3A_3 {
      %dma_start3A = arith.constant 0 : i32
      %dma_start3A_271 = tpu.memref_slice %arg7[%dma_start3A] : memref<3136xi32, #tpu.memory_space<vmem>> -> memref<2960xi32, #tpu.memory_space<vmem>>
      %dma_start3A_272 = tpu.memref_slice %arg3[%mul3A_0] : memref<100000xi32, #tpu.memory_space<hbm>> -> memref<2960xi32, #tpu.memory_space<hbm>>
      %dma_start3A_273 = arith.constant 0 : i32
      %dma_start3A_274 = tpu.memref_slice %arg7[%dma_start3A_273] : memref<3136xi32, #tpu.memory_space<vmem>> -> memref<2960xi32, #tpu.memory_space<vmem>>
      %dma_start3A_275 = tpu.memref_slice %arg3[%mul3A_0] : memref<100000xi32, #tpu.memory_space<hbm>> -> memref<2960xi32, #tpu.memory_space<hbm>>
      tpu.enqueue_dma source(%dma_start3A_275 : memref<2960xi32, #tpu.memory_space<hbm>>) target(%dma_start3A_274 : memref<2960xi32, #tpu.memory_space<vmem>>) target_semaphore(%arg15 : memref<!tpu.dma_semaphore, #tpu.memory_space<semaphore_mem>>)
      %dma_wait3A = arith.constant 0 : i32
      %dma_wait3A_276 = tpu.memref_slice %arg7[%dma_wait3A] : memref<3136xi32, #tpu.memory_space<vmem>> -> memref<2960xi32, #tpu.memory_space<vmem>>
      %dma_wait3A_277 = tpu.memref_slice %arg3[%mul3A_0] : memref<100000xi32, #tpu.memory_space<hbm>> -> memref<2960xi32, #tpu.memory_space<hbm>>
      %dma_wait3A_278 = arith.constant 0 : i32
      %dma_wait3A_279 = tpu.memref_slice %arg7[%dma_wait3A_278] : memref<3136xi32, #tpu.memory_space<vmem>> -> memref<2960xi32, #tpu.memory_space<vmem>>
      %dma_wait3A_280 = tpu.memref_slice %arg3[%mul3A_0] : memref<100000xi32, #tpu.memory_space<hbm>> -> memref<2960xi32, #tpu.memory_space<hbm>>
      tpu.wait_dma2 semaphore(%arg15 : memref<!tpu.dma_semaphore, #tpu.memory_space<semaphore_mem>>) src(%dma_wait3A_280 : memref<2960xi32, #tpu.memory_space<hbm>>) dst(%dma_wait3A_279 : memref<2960xi32, #tpu.memory_space<vmem>>)
      %add3A_281 = arith.constant 50000 : i32
      %add3A_282 = arith.addi %add3A_281, %mul3A_0 : i32
      %dma_start3A_283 = arith.constant 0 : i32
      %dma_start3A_284 = tpu.memref_slice %arg8[%dma_start3A_283] : memref<3136xi32, #tpu.memory_space<vmem>> -> memref<2960xi32, #tpu.memory_space<vmem>>
      %dma_start3A_285 = tpu.memref_slice %arg3[%add3A_282] : memref<100000xi32, #tpu.memory_space<hbm>> -> memref<2960xi32, #tpu.memory_space<hbm>>
      %dma_start3A_286 = arith.constant 0 : i32
      %dma_start3A_287 = tpu.memref_slice %arg8[%dma_start3A_286] : memref<3136xi32, #tpu.memory_space<vmem>> -> memref<2960xi32, #tpu.memory_space<vmem>>
      %dma_start3A_288 = tpu.memref_slice %arg3[%add3A_282] : memref<100000xi32, #tpu.memory_space<hbm>> -> memref<2960xi32, #tpu.memory_space<hbm>>
      tpu.enqueue_dma source(%dma_start3A_288 : memref<2960xi32, #tpu.memory_space<hbm>>) target(%dma_start3A_287 : memref<2960xi32, #tpu.memory_space<vmem>>) target_semaphore(%arg15 : memref<!tpu.dma_semaphore, #tpu.memory_space<semaphore_mem>>)
      %dma_wait3A_289 = arith.constant 0 : i32
      %dma_wait3A_290 = tpu.memref_slice %arg8[%dma_wait3A_289] : memref<3136xi32, #tpu.memory_space<vmem>> -> memref<2960xi32, #tpu.memory_space<vmem>>
      %dma_wait3A_291 = tpu.memref_slice %arg3[%add3A_282] : memref<100000xi32, #tpu.memory_space<hbm>> -> memref<2960xi32, #tpu.memory_space<hbm>>
      %dma_wait3A_292 = arith.constant 0 : i32
      %dma_wait3A_293 = tpu.memref_slice %arg8[%dma_wait3A_292] : memref<3136xi32, #tpu.memory_space<vmem>> -> memref<2960xi32, #tpu.memory_space<vmem>>
      %dma_wait3A_294 = tpu.memref_slice %arg3[%add3A_282] : memref<100000xi32, #tpu.memory_space<hbm>> -> memref<2960xi32, #tpu.memory_space<hbm>>
      tpu.wait_dma2 semaphore(%arg15 : memref<!tpu.dma_semaphore, #tpu.memory_space<semaphore_mem>>) src(%dma_wait3A_294 : memref<2960xi32, #tpu.memory_space<hbm>>) dst(%dma_wait3A_293 : memref<2960xi32, #tpu.memory_space<vmem>>)
    } else {
    }
    %not3A = arith.constant true
    %not3A_4 = arith.xori %eq3A_1, %not3A : i1
    %convert_element_type3A_5 = arith.extui %not3A_4 : i1 to i32
    %cond3A_6 = arith.constant 0 : i32
    %cond3A_7 = arith.cmpi ne, %convert_element_type3A_5, %cond3A_6 : i32
    scf.if %cond3A_7 {
      %dma_start3A = tpu.memref_slice %arg3[%mul3A_0] : memref<100000xi32, #tpu.memory_space<hbm>> -> memref<3136xi32, #tpu.memory_space<hbm>>
      %dma_start3A_271 = tpu.memref_slice %arg3[%mul3A_0] : memref<100000xi32, #tpu.memory_space<hbm>> -> memref<3136xi32, #tpu.memory_space<hbm>>
      tpu.enqueue_dma source(%dma_start3A_271 : memref<3136xi32, #tpu.memory_space<hbm>>) target(%arg7 : memref<3136xi32, #tpu.memory_space<vmem>>) target_semaphore(%arg15 : memref<!tpu.dma_semaphore, #tpu.memory_space<semaphore_mem>>)
      %dma_wait3A = tpu.memref_slice %arg3[%mul3A_0] : memref<100000xi32, #tpu.memory_space<hbm>> -> memref<3136xi32, #tpu.memory_space<hbm>>
      %dma_wait3A_272 = tpu.memref_slice %arg3[%mul3A_0] : memref<100000xi32, #tpu.memory_space<hbm>> -> memref<3136xi32, #tpu.memory_space<hbm>>
      tpu.wait_dma2 semaphore(%arg15 : memref<!tpu.dma_semaphore, #tpu.memory_space<semaphore_mem>>) src(%dma_wait3A_272 : memref<3136xi32, #tpu.memory_space<hbm>>) dst(%arg7 : memref<3136xi32, #tpu.memory_space<vmem>>)
      %add3A_273 = arith.constant 50000 : i32
      %add3A_274 = arith.addi %add3A_273, %mul3A_0 : i32
      %dma_start3A_275 = tpu.memref_slice %arg3[%add3A_274] : memref<100000xi32, #tpu.memory_space<hbm>> -> memref<3136xi32, #tpu.memory_space<hbm>>
      %dma_start3A_276 = tpu.memref_slice %arg3[%add3A_274] : memref<100000xi32, #tpu.memory_space<hbm>> -> memref<3136xi32, #tpu.memory_space<hbm>>
      tpu.enqueue_dma source(%dma_start3A_276 : memref<3136xi32, #tpu.memory_space<hbm>>) target(%arg8 : memref<3136xi32, #tpu.memory_space<vmem>>) target_semaphore(%arg15 : memref<!tpu.dma_semaphore, #tpu.memory_space<semaphore_mem>>)
      %dma_wait3A_277 = tpu.memref_slice %arg3[%add3A_274] : memref<100000xi32, #tpu.memory_space<hbm>> -> memref<3136xi32, #tpu.memory_space<hbm>>
      %dma_wait3A_278 = tpu.memref_slice %arg3[%add3A_274] : memref<100000xi32, #tpu.memory_space<hbm>> -> memref<3136xi32, #tpu.memory_space<hbm>>
      tpu.wait_dma2 semaphore(%arg15 : memref<!tpu.dma_semaphore, #tpu.memory_space<semaphore_mem>>) src(%dma_wait3A_278 : memref<3136xi32, #tpu.memory_space<hbm>>) dst(%arg8 : memref<3136xi32, #tpu.memory_space<vmem>>)
    } else {
    }
    tpu.wait_dma2 semaphore(%arg14 : memref<!tpu.dma_semaphore, #tpu.memory_space<semaphore_mem>>) src(%arg2 : memref<50000xf32, #tpu.memory_space<hbm>>) dst(%arg6 : memref<50000xf32, #tpu.memory_space<vmem>>)
    tpu.wait_dma2 semaphore(%arg16 : memref<!tpu.dma_semaphore, #tpu.memory_space<semaphore_mem>>) src(%arg4 : memref<32xf32, #tpu.memory_space<hbm>>) dst(%arg10 : memref<32xf32, #tpu.memory_space<vmem>>)
    %get3A = arith.constant 0 : index
    %get3A_8 = tpu.vector_load %arg10[%get3A] {strides = array<i32>} : memref<32xf32, #tpu.memory_space<vmem>>, vector<16xf32>,
    %get3A_9 = arith.constant 16 : index
    %get3A_10 = tpu.vector_load %arg10[%get3A_9] {strides = array<i32>} : memref<32xf32, #tpu.memory_space<vmem>>, vector<16xf32>,
    %jit3A_11 = arith.constant 4 : i32
    %div3A = arith.divsi %select_n3A, %jit3A_11 : i32
    %sign3A = arith.constant 0 : i32
    %sign3A_12 = arith.cmpi sgt, %select_n3A, %sign3A : i32
    %sign3A_13 = arith.extui %sign3A_12 : i1 to i32
    %sign3A_14 = arith.constant 0 : i32
    %sign3A_15 = arith.cmpi slt, %select_n3A, %sign3A_14 : i32
    %sign3A_16 = arith.extui %sign3A_15 : i1 to i32
    %sign3A_17 = arith.subi %sign3A_13, %sign3A_16 : i32
    %sign3A_18 = arith.constant 0 : i32
    %sign3A_19 = arith.cmpi sgt, %jit3A_11, %sign3A_18 : i32
    %sign3A_20 = arith.extui %sign3A_19 : i1 to i32
    %sign3A_21 = arith.constant 0 : i32
    %sign3A_22 = arith.cmpi slt, %jit3A_11, %sign3A_21 : i32
    %sign3A_23 = arith.extui %sign3A_22 : i1 to i32
    %sign3A_24 = arith.subi %sign3A_20, %sign3A_23 : i32
    %ne3A = arith.cmpi ne, %sign3A_17, %sign3A_24 : i32
    %rem3A = arith.remsi %select_n3A, %jit3A_11 : i32
    %ne3A_25 = arith.constant 0 : i32
    %ne3A_26 = arith.cmpi ne, %rem3A, %ne3A_25 : i32
    %and3A = arith.andi %ne3A, %ne3A_26 : i1
    %sub3A = arith.constant 1 : i32
    %sub3A_27 = arith.subi %div3A, %sub3A : i32
    %select_n3A_28 = arith.select %and3A, %sub3A_27, %div3A : i32
    %broadcast_in_dim3A = arith.constant 0.000000e+00 : f32
    %broadcast_in_dim3A_29 = vector.broadcast %broadcast_in_dim3A : f32 to vector<16xf32>
    %broadcast_in_dim3A_30 = arith.constant 0.000000e+00 : f32
    %broadcast_in_dim3A_31 = vector.broadcast %broadcast_in_dim3A_30 : f32 to vector<16xf32>
    %while3A = arith.constant 0 : i32
    %while3A_32 = arith.subi %select_n3A_28, %while3A : i32
    %while3A_33 = arith.addi %while3A, %while3A_32 : i32
    %while3A_34 = arith.constant 1 : i32
    %while3A_35 = arith.divsi %while3A_32, %while3A_34 : i32
    %while3A_36 = arith.muli %while3A_35, %while3A_34 : i32
    %while3A_37 = arith.addi %while3A, %while3A_36 : i32
    %while3A_38 = arith.constant 1 : i32
    %while3A_39:2 = scf.for %while3A_271 = %while3A to %while3A_37 step %while3A_38 iter_args(%while3A_272 = %broadcast_in_dim3A_29, %while3A_273 = %broadcast_in_dim3A_31) -> (vector<16xf32>, vector<16xf32>)  : i32 {
      %mul3A_274 = arith.constant 64 : i32
      %mul3A_275 = arith.muli %while3A_271, %mul3A_274 : i32
      %add3A_276 = arith.constant 0 : i32
      %add3A_277 = arith.addi %mul3A_275, %add3A_276 : i32
      %get3A_278 = arith.index_cast %add3A_277 : i32 to index
      %get3A_279 = tpu.vector_load %arg7[%get3A_278] {strides = array<i32>} : memref<3136xi32, #tpu.memory_space<vmem>>, vector<16xi32>,
      %get3A_280 = arith.index_cast %add3A_277 : i32 to index
      %get3A_281 = tpu.vector_load %arg8[%get3A_280] {strides = array<i32>} : memref<3136xi32, #tpu.memory_space<vmem>>, vector<16xi32>,
      %gather3A_282 = tpu.vector_load_idx %arg6[%get3A_279] : memref<50000xf32, #tpu.memory_space<vmem>>[vector<16xi32>], vector<16xf32>,
      %gather3A_283 = tpu.vector_load_idx %arg6[%get3A_281] : memref<50000xf32, #tpu.memory_space<vmem>>[vector<16xi32>], vector<16xf32>,
      %mul3A_284 = arith.mulf %get3A_8, %gather3A_282 : vector<16xf32>
      %add3A_285 = arith.addf %mul3A_284, %get3A_10 : vector<16xf32>
      %mul3A_286 = arith.mulf %add3A_285, %gather3A_283 : vector<16xf32>
      %mul3A_287 = arith.constant 2.000000e-01 : f32
      %mul3A_288 = vector.broadcast %mul3A_287 : f32 to vector<16xf32>
      %mul3A_289 = arith.mulf %mul3A_288, %mul3A_286 : vector<16xf32>
      %max3A_290 = arith.maximumf %mul3A_286, %mul3A_289 : vector<16xf32>
      %exp3A_291 = math.exp %max3A_290 : vector<16xf32>
      %add3A_292 = arith.addi %mul3A_0, %add3A_277 : i32
      %get3A_293 = arith.index_cast %add3A_292 : i32 to index
      %get3A_294 = tpu.vector_load %arg6[%get3A_293] {strides = array<i32>} : memref<50000xf32, #tpu.memory_space<vmem>>, vector<16xf32>,
      %mul3A_295 = arith.mulf %exp3A_291, %get3A_294 : vector<16xf32>
      %add3A_296 = arith.addf %while3A_272, %exp3A_291 : vector<16xf32>
      %add3A_297 = arith.addf %while3A_273, %mul3A_295 : vector<16xf32>
      %add3A_298 = arith.constant 16 : i32
      %add3A_299 = arith.addi %mul3A_275, %add3A_298 : i32
      %get3A_300 = arith.index_cast %add3A_299 : i32 to index
      %get3A_301 = tpu.vector_load %arg7[%get3A_300] {strides = array<i32>} : memref<3136xi32, #tpu.memory_space<vmem>>, vector<16xi32>,
      %get3A_302 = arith.index_cast %add3A_299 : i32 to index
      %get3A_303 = tpu.vector_load %arg8[%get3A_302] {strides = array<i32>} : memref<3136xi32, #tpu.memory_space<vmem>>, vector<16xi32>,
      %gather3A_304 = tpu.vector_load_idx %arg6[%get3A_301] : memref<50000xf32, #tpu.memory_space<vmem>>[vector<16xi32>], vector<16xf32>,
      %gather3A_305 = tpu.vector_load_idx %arg6[%get3A_303] : memref<50000xf32, #tpu.memory_space<vmem>>[vector<16xi32>], vector<16xf32>,
      %mul3A_306 = arith.mulf %get3A_8, %gather3A_304 : vector<16xf32>
      %add3A_307 = arith.addf %mul3A_306, %get3A_10 : vector<16xf32>
      %mul3A_308 = arith.mulf %add3A_307, %gather3A_305 : vector<16xf32>
      %mul3A_309 = arith.constant 2.000000e-01 : f32
      %mul3A_310 = vector.broadcast %mul3A_309 : f32 to vector<16xf32>
      %mul3A_311 = arith.mulf %mul3A_310, %mul3A_308 : vector<16xf32>
      %max3A_312 = arith.maximumf %mul3A_308, %mul3A_311 : vector<16xf32>
      %exp3A_313 = math.exp %max3A_312 : vector<16xf32>
      %add3A_314 = arith.addi %mul3A_0, %add3A_299 : i32
      %get3A_315 = arith.index_cast %add3A_314 : i32 to index
      %get3A_316 = tpu.vector_load %arg6[%get3A_315] {strides = array<i32>} : memref<50000xf32, #tpu.memory_space<vmem>>, vector<16xf32>,
      %mul3A_317 = arith.mulf %exp3A_313, %get3A_316 : vector<16xf32>
      %add3A_318 = arith.addf %add3A_296, %exp3A_313 : vector<16xf32>
      %add3A_319 = arith.addf %add3A_297, %mul3A_317 : vector<16xf32>
      %add3A_320 = arith.constant 32 : i32
      %add3A_321 = arith.addi %mul3A_275, %add3A_320 : i32
      %get3A_322 = arith.index_cast %add3A_321 : i32 to index
      %get3A_323 = tpu.vector_load %arg7[%get3A_322] {strides = array<i32>} : memref<3136xi32, #tpu.memory_space<vmem>>, vector<16xi32>,
      %get3A_324 = arith.index_cast %add3A_321 : i32 to index
      %get3A_325 = tpu.vector_load %arg8[%get3A_324] {strides = array<i32>} : memref<3136xi32, #tpu.memory_space<vmem>>, vector<16xi32>,
      %gather3A_326 = tpu.vector_load_idx %arg6[%get3A_323] : memref<50000xf32, #tpu.memory_space<vmem>>[vector<16xi32>], vector<16xf32>,
      %gather3A_327 = tpu.vector_load_idx %arg6[%get3A_325] : memref<50000xf32, #tpu.memory_space<vmem>>[vector<16xi32>], vector<16xf32>,
      %mul3A_328 = arith.mulf %get3A_8, %gather3A_326 : vector<16xf32>
      %add3A_329 = arith.addf %mul3A_328, %get3A_10 : vector<16xf32>
      %mul3A_330 = arith.mulf %add3A_329, %gather3A_327 : vector<16xf32>
      %mul3A_331 = arith.constant 2.000000e-01 : f32
      %mul3A_332 = vector.broadcast %mul3A_331 : f32 to vector<16xf32>
      %mul3A_333 = arith.mulf %mul3A_332, %mul3A_330 : vector<16xf32>
      %max3A_334 = arith.maximumf %mul3A_330, %mul3A_333 : vector<16xf32>
      %exp3A_335 = math.exp %max3A_334 : vector<16xf32>
      %add3A_336 = arith.addi %mul3A_0, %add3A_321 : i32
      %get3A_337 = arith.index_cast %add3A_336 : i32 to index
      %get3A_338 = tpu.vector_load %arg6[%get3A_337] {strides = array<i32>} : memref<50000xf32, #tpu.memory_space<vmem>>, vector<16xf32>,
      %mul3A_339 = arith.mulf %exp3A_335, %get3A_338 : vector<16xf32>
      %add3A_340 = arith.addf %add3A_318, %exp3A_335 : vector<16xf32>
      %add3A_341 = arith.addf %add3A_319, %mul3A_339 : vector<16xf32>
      %add3A_342 = arith.constant 48 : i32
      %add3A_343 = arith.addi %mul3A_275, %add3A_342 : i32
      %get3A_344 = arith.index_cast %add3A_343 : i32 to index
      %get3A_345 = tpu.vector_load %arg7[%get3A_344] {strides = array<i32>} : memref<3136xi32, #tpu.memory_space<vmem>>, vector<16xi32>,
      %get3A_346 = arith.index_cast %add3A_343 : i32 to index
      %get3A_347 = tpu.vector_load %arg8[%get3A_346] {strides = array<i32>} : memref<3136xi32, #tpu.memory_space<vmem>>, vector<16xi32>,
      %gather3A_348 = tpu.vector_load_idx %arg6[%get3A_345] : memref<50000xf32, #tpu.memory_space<vmem>>[vector<16xi32>], vector<16xf32>,
      %gather3A_349 = tpu.vector_load_idx %arg6[%get3A_347] : memref<50000xf32, #tpu.memory_space<vmem>>[vector<16xi32>], vector<16xf32>,
      %mul3A_350 = arith.mulf %get3A_8, %gather3A_348 : vector<16xf32>
      %add3A_351 = arith.addf %mul3A_350, %get3A_10 : vector<16xf32>
      %mul3A_352 = arith.mulf %add3A_351, %gather3A_349 : vector<16xf32>
      %mul3A_353 = arith.constant 2.000000e-01 : f32
      %mul3A_354 = vector.broadcast %mul3A_353 : f32 to vector<16xf32>
      %mul3A_355 = arith.mulf %mul3A_354, %mul3A_352 : vector<16xf32>
      %max3A_356 = arith.maximumf %mul3A_352, %mul3A_355 : vector<16xf32>
      %exp3A_357 = math.exp %max3A_356 : vector<16xf32>
      %add3A_358 = arith.addi %mul3A_0, %add3A_343 : i32
      %get3A_359 = arith.index_cast %add3A_358 : i32 to index
      %get3A_360 = tpu.vector_load %arg6[%get3A_359] {strides = array<i32>} : memref<50000xf32, #tpu.memory_space<vmem>>, vector<16xf32>,
      %mul3A_361 = arith.mulf %exp3A_357, %get3A_360 : vector<16xf32>
      %add3A_362 = arith.addf %add3A_340, %exp3A_357 : vector<16xf32>
      %add3A_363 = arith.addf %add3A_341, %mul3A_361 : vector<16xf32>
      scf.yield %add3A_362, %add3A_363 : vector<16xf32>, vector<16xf32>
    }
    %while3A_40 = arith.constant 1 : i32
    %while3A_41:2 = scf.for %while3A_271 = %while3A_37 to %while3A_33 step %while3A_40 iter_args(%while3A_272 = %while3A_39#0, %while3A_273 = %while3A_39#1) -> (vector<16xf32>, vector<16xf32>)  : i32 {
      %mul3A_274 = arith.constant 64 : i32
      %mul3A_275 = arith.muli %while3A_271, %mul3A_274 : i32
      %add3A_276 = arith.constant 0 : i32
      %add3A_277 = arith.addi %mul3A_275, %add3A_276 : i32
      %get3A_278 = arith.index_cast %add3A_277 : i32 to index
      %get3A_279 = tpu.vector_load %arg7[%get3A_278] {strides = array<i32>} : memref<3136xi32, #tpu.memory_space<vmem>>, vector<16xi32>,
      %get3A_280 = arith.index_cast %add3A_277 : i32 to index
      %get3A_281 = tpu.vector_load %arg8[%get3A_280] {strides = array<i32>} : memref<3136xi32, #tpu.memory_space<vmem>>, vector<16xi32>,
      %gather3A_282 = tpu.vector_load_idx %arg6[%get3A_279] : memref<50000xf32, #tpu.memory_space<vmem>>[vector<16xi32>], vector<16xf32>,
      %gather3A_283 = tpu.vector_load_idx %arg6[%get3A_281] : memref<50000xf32, #tpu.memory_space<vmem>>[vector<16xi32>], vector<16xf32>,
      %mul3A_284 = arith.mulf %get3A_8, %gather3A_282 : vector<16xf32>
      %add3A_285 = arith.addf %mul3A_284, %get3A_10 : vector<16xf32>
      %mul3A_286 = arith.mulf %add3A_285, %gather3A_283 : vector<16xf32>
      %mul3A_287 = arith.constant 2.000000e-01 : f32
      %mul3A_288 = vector.broadcast %mul3A_287 : f32 to vector<16xf32>
      %mul3A_289 = arith.mulf %mul3A_288, %mul3A_286 : vector<16xf32>
      %max3A_290 = arith.maximumf %mul3A_286, %mul3A_289 : vector<16xf32>
      %exp3A_291 = math.exp %max3A_290 : vector<16xf32>
      %add3A_292 = arith.addi %mul3A_0, %add3A_277 : i32
      %get3A_293 = arith.index_cast %add3A_292 : i32 to index
      %get3A_294 = tpu.vector_load %arg6[%get3A_293] {strides = array<i32>} : memref<50000xf32, #tpu.memory_space<vmem>>, vector<16xf32>,
      %mul3A_295 = arith.mulf %exp3A_291, %get3A_294 : vector<16xf32>
      %add3A_296 = arith.addf %while3A_272, %exp3A_291 : vector<16xf32>
      %add3A_297 = arith.addf %while3A_273, %mul3A_295 : vector<16xf32>
      %add3A_298 = arith.constant 16 : i32
      %add3A_299 = arith.addi %mul3A_275, %add3A_298 : i32
      %get3A_300 = arith.index_cast %add3A_299 : i32 to index
      %get3A_301 = tpu.vector_load %arg7[%get3A_300] {strides = array<i32>} : memref<3136xi32, #tpu.memory_space<vmem>>, vector<16xi32>,
      %get3A_302 = arith.index_cast %add3A_299 : i32 to index
      %get3A_303 = tpu.vector_load %arg8[%get3A_302] {strides = array<i32>} : memref<3136xi32, #tpu.memory_space<vmem>>, vector<16xi32>,
      %gather3A_304 = tpu.vector_load_idx %arg6[%get3A_301] : memref<50000xf32, #tpu.memory_space<vmem>>[vector<16xi32>], vector<16xf32>,
      %gather3A_305 = tpu.vector_load_idx %arg6[%get3A_303] : memref<50000xf32, #tpu.memory_space<vmem>>[vector<16xi32>], vector<16xf32>,
      %mul3A_306 = arith.mulf %get3A_8, %gather3A_304 : vector<16xf32>
      %add3A_307 = arith.addf %mul3A_306, %get3A_10 : vector<16xf32>
      %mul3A_308 = arith.mulf %add3A_307, %gather3A_305 : vector<16xf32>
      %mul3A_309 = arith.constant 2.000000e-01 : f32
      %mul3A_310 = vector.broadcast %mul3A_309 : f32 to vector<16xf32>
      %mul3A_311 = arith.mulf %mul3A_310, %mul3A_308 : vector<16xf32>
      %max3A_312 = arith.maximumf %mul3A_308, %mul3A_311 : vector<16xf32>
      %exp3A_313 = math.exp %max3A_312 : vector<16xf32>
      %add3A_314 = arith.addi %mul3A_0, %add3A_299 : i32
      %get3A_315 = arith.index_cast %add3A_314 : i32 to index
      %get3A_316 = tpu.vector_load %arg6[%get3A_315] {strides = array<i32>} : memref<50000xf32, #tpu.memory_space<vmem>>, vector<16xf32>,
      %mul3A_317 = arith.mulf %exp3A_313, %get3A_316 : vector<16xf32>
      %add3A_318 = arith.addf %add3A_296, %exp3A_313 : vector<16xf32>
      %add3A_319 = arith.addf %add3A_297, %mul3A_317 : vector<16xf32>
      %add3A_320 = arith.constant 32 : i32
      %add3A_321 = arith.addi %mul3A_275, %add3A_320 : i32
      %get3A_322 = arith.index_cast %add3A_321 : i32 to index
      %get3A_323 = tpu.vector_load %arg7[%get3A_322] {strides = array<i32>} : memref<3136xi32, #tpu.memory_space<vmem>>, vector<16xi32>,
      %get3A_324 = arith.index_cast %add3A_321 : i32 to index
      %get3A_325 = tpu.vector_load %arg8[%get3A_324] {strides = array<i32>} : memref<3136xi32, #tpu.memory_space<vmem>>, vector<16xi32>,
      %gather3A_326 = tpu.vector_load_idx %arg6[%get3A_323] : memref<50000xf32, #tpu.memory_space<vmem>>[vector<16xi32>], vector<16xf32>,
      %gather3A_327 = tpu.vector_load_idx %arg6[%get3A_325] : memref<50000xf32, #tpu.memory_space<vmem>>[vector<16xi32>], vector<16xf32>,
      %mul3A_328 = arith.mulf %get3A_8, %gather3A_326 : vector<16xf32>
      %add3A_329 = arith.addf %mul3A_328, %get3A_10 : vector<16xf32>
      %mul3A_330 = arith.mulf %add3A_329, %gather3A_327 : vector<16xf32>
      %mul3A_331 = arith.constant 2.000000e-01 : f32
      %mul3A_332 = vector.broadcast %mul3A_331 : f32 to vector<16xf32>
      %mul3A_333 = arith.mulf %mul3A_332, %mul3A_330 : vector<16xf32>
      %max3A_334 = arith.maximumf %mul3A_330, %mul3A_333 : vector<16xf32>
      %exp3A_335 = math.exp %max3A_334 : vector<16xf32>
      %add3A_336 = arith.addi %mul3A_0, %add3A_321 : i32
      %get3A_337 = arith.index_cast %add3A_336 : i32 to index
      %get3A_338 = tpu.vector_load %arg6[%get3A_337] {strides = array<i32>} : memref<50000xf32, #tpu.memory_space<vmem>>, vector<16xf32>,
      %mul3A_339 = arith.mulf %exp3A_335, %get3A_338 : vector<16xf32>
      %add3A_340 = arith.addf %add3A_318, %exp3A_335 : vector<16xf32>
      %add3A_341 = arith.addf %add3A_319, %mul3A_339 : vector<16xf32>
      %add3A_342 = arith.constant 48 : i32
      %add3A_343 = arith.addi %mul3A_275, %add3A_342 : i32
      %get3A_344 = arith.index_cast %add3A_343 : i32 to index
      %get3A_345 = tpu.vector_load %arg7[%get3A_344] {strides = array<i32>} : memref<3136xi32, #tpu.memory_space<vmem>>, vector<16xi32>,
      %get3A_346 = arith.index_cast %add3A_343 : i32 to index
      %get3A_347 = tpu.vector_load %arg8[%get3A_346] {strides = array<i32>} : memref<3136xi32, #tpu.memory_space<vmem>>, vector<16xi32>,
      %gather3A_348 = tpu.vector_load_idx %arg6[%get3A_345] : memref<50000xf32, #tpu.memory_space<vmem>>[vector<16xi32>], vector<16xf32>,
      %gather3A_349 = tpu.vector_load_idx %arg6[%get3A_347] : memref<50000xf32, #tpu.memory_space<vmem>>[vector<16xi32>], vector<16xf32>,
      %mul3A_350 = arith.mulf %get3A_8, %gather3A_348 : vector<16xf32>
      %add3A_351 = arith.addf %mul3A_350, %get3A_10 : vector<16xf32>
      %mul3A_352 = arith.mulf %add3A_351, %gather3A_349 : vector<16xf32>
      %mul3A_353 = arith.constant 2.000000e-01 : f32
      %mul3A_354 = vector.broadcast %mul3A_353 : f32 to vector<16xf32>
      %mul3A_355 = arith.mulf %mul3A_354, %mul3A_352 : vector<16xf32>
      %max3A_356 = arith.maximumf %mul3A_352, %mul3A_355 : vector<16xf32>
      %exp3A_357 = math.exp %max3A_356 : vector<16xf32>
      %add3A_358 = arith.addi %mul3A_0, %add3A_343 : i32
      %get3A_359 = arith.index_cast %add3A_358 : i32 to index
      %get3A_360 = tpu.vector_load %arg6[%get3A_359] {strides = array<i32>} : memref<50000xf32, #tpu.memory_space<vmem>>, vector<16xf32>,
      %mul3A_361 = arith.mulf %exp3A_357, %get3A_360 : vector<16xf32>
      %add3A_362 = arith.addf %add3A_340, %exp3A_357 : vector<16xf32>
      %add3A_363 = arith.addf %add3A_341, %mul3A_361 : vector<16xf32>
      scf.yield %add3A_362, %add3A_363 : vector<16xf32>, vector<16xf32>
    }
    %mul3A_42 = arith.constant 4 : i32
    %mul3A_43 = arith.muli %select_n3A_28, %mul3A_42 : i32
    %add3A = arith.constant 0 : i32
    %add3A_44 = arith.addi %mul3A_43, %add3A : i32
    %lt3A = arith.cmpi slt, %add3A_44, %select_n3A : i32
    %convert_element_type3A_45 = arith.extui %lt3A : i1 to i32
    %convert_element_type3A_46 = arith.sitofp %convert_element_type3A_45 : i32 to f32
    %sub3A_47 = arith.constant 1 : i32
    %sub3A_48 = arith.subi %select_n3A, %sub3A_47 : i32
    %min3A = arith.minsi %add3A_44, %sub3A_48 : i32
    %mul3A_49 = arith.constant 16 : i32
    %mul3A_50 = arith.muli %min3A, %mul3A_49 : i32
    %get3A_51 = arith.index_cast %mul3A_50 : i32 to index
    %get3A_52 = tpu.vector_load %arg7[%get3A_51] {strides = array<i32>} : memref<3136xi32, #tpu.memory_space<vmem>>, vector<16xi32>,
    %get3A_53 = arith.index_cast %mul3A_50 : i32 to index
    %get3A_54 = tpu.vector_load %arg8[%get3A_53] {strides = array<i32>} : memref<3136xi32, #tpu.memory_space<vmem>>, vector<16xi32>,
    %gather3A = tpu.vector_load_idx %arg6[%get3A_52] : memref<50000xf32, #tpu.memory_space<vmem>>[vector<16xi32>], vector<16xf32>,
    %gather3A_55 = tpu.vector_load_idx %arg6[%get3A_54] : memref<50000xf32, #tpu.memory_space<vmem>>[vector<16xi32>], vector<16xf32>,
    %mul3A_56 = arith.mulf %get3A_8, %gather3A : vector<16xf32>
    %add3A_57 = arith.addf %mul3A_56, %get3A_10 : vector<16xf32>
    %mul3A_58 = arith.mulf %add3A_57, %gather3A_55 : vector<16xf32>
    %mul3A_59 = arith.constant 2.000000e-01 : f32
    %mul3A_60 = vector.broadcast %mul3A_59 : f32 to vector<16xf32>
    %mul3A_61 = arith.mulf %mul3A_60, %mul3A_58 : vector<16xf32>
    %max3A = arith.maximumf %mul3A_58, %mul3A_61 : vector<16xf32>
    %exp3A = math.exp %max3A : vector<16xf32>
    %add3A_62 = arith.addi %mul3A_0, %mul3A_50 : i32
    %get3A_63 = arith.index_cast %add3A_62 : i32 to index
    %get3A_64 = tpu.vector_load %arg6[%get3A_63] {strides = array<i32>} : memref<50000xf32, #tpu.memory_space<vmem>>, vector<16xf32>,
    %mul3A_65 = arith.mulf %exp3A, %get3A_64 : vector<16xf32>
    %mul3A_66 = vector.broadcast %convert_element_type3A_46 : f32 to vector<16xf32>
    %mul3A_67 = arith.mulf %mul3A_66, %exp3A : vector<16xf32>
    %add3A_68 = arith.addf %while3A_41#0, %mul3A_67 : vector<16xf32>
    %mul3A_69 = vector.broadcast %convert_element_type3A_46 : f32 to vector<16xf32>
    %mul3A_70 = arith.mulf %mul3A_69, %mul3A_65 : vector<16xf32>
    %add3A_71 = arith.addf %while3A_41#1, %mul3A_70 : vector<16xf32>
    %mul3A_72 = arith.constant 4 : i32
    %mul3A_73 = arith.muli %select_n3A_28, %mul3A_72 : i32
    %add3A_74 = arith.constant 1 : i32
    %add3A_75 = arith.addi %mul3A_73, %add3A_74 : i32
    %lt3A_76 = arith.cmpi slt, %add3A_75, %select_n3A : i32
    %convert_element_type3A_77 = arith.extui %lt3A_76 : i1 to i32
    %convert_element_type3A_78 = arith.sitofp %convert_element_type3A_77 : i32 to f32
    %sub3A_79 = arith.constant 1 : i32
    %sub3A_80 = arith.subi %select_n3A, %sub3A_79 : i32
    %min3A_81 = arith.minsi %add3A_75, %sub3A_80 : i32
    %mul3A_82 = arith.constant 16 : i32
    %mul3A_83 = arith.muli %min3A_81, %mul3A_82 : i32
    %get3A_84 = arith.index_cast %mul3A_83 : i32 to index
    %get3A_85 = tpu.vector_load %arg7[%get3A_84] {strides = array<i32>} : memref<3136xi32, #tpu.memory_space<vmem>>, vector<16xi32>,
    %get3A_86 = arith.index_cast %mul3A_83 : i32 to index
    %get3A_87 = tpu.vector_load %arg8[%get3A_86] {strides = array<i32>} : memref<3136xi32, #tpu.memory_space<vmem>>, vector<16xi32>,
    %gather3A_88 = tpu.vector_load_idx %arg6[%get3A_85] : memref<50000xf32, #tpu.memory_space<vmem>>[vector<16xi32>], vector<16xf32>,
    %gather3A_89 = tpu.vector_load_idx %arg6[%get3A_87] : memref<50000xf32, #tpu.memory_space<vmem>>[vector<16xi32>], vector<16xf32>,
    %mul3A_90 = arith.mulf %get3A_8, %gather3A_88 : vector<16xf32>
    %add3A_91 = arith.addf %mul3A_90, %get3A_10 : vector<16xf32>
    %mul3A_92 = arith.mulf %add3A_91, %gather3A_89 : vector<16xf32>
    %mul3A_93 = arith.constant 2.000000e-01 : f32
    %mul3A_94 = vector.broadcast %mul3A_93 : f32 to vector<16xf32>
    %mul3A_95 = arith.mulf %mul3A_94, %mul3A_92 : vector<16xf32>
    %max3A_96 = arith.maximumf %mul3A_92, %mul3A_95 : vector<16xf32>
    %exp3A_97 = math.exp %max3A_96 : vector<16xf32>
    %add3A_98 = arith.addi %mul3A_0, %mul3A_83 : i32
    %get3A_99 = arith.index_cast %add3A_98 : i32 to index
    %get3A_100 = tpu.vector_load %arg6[%get3A_99] {strides = array<i32>} : memref<50000xf32, #tpu.memory_space<vmem>>, vector<16xf32>,
    %mul3A_101 = arith.mulf %exp3A_97, %get3A_100 : vector<16xf32>
    %mul3A_102 = vector.broadcast %convert_element_type3A_78 : f32 to vector<16xf32>
    %mul3A_103 = arith.mulf %mul3A_102, %exp3A_97 : vector<16xf32>
    %add3A_104 = arith.addf %add3A_68, %mul3A_103 : vector<16xf32>
    %mul3A_105 = vector.broadcast %convert_element_type3A_78 : f32 to vector<16xf32>
    %mul3A_106 = arith.mulf %mul3A_105, %mul3A_101 : vector<16xf32>
    %add3A_107 = arith.addf %add3A_71, %mul3A_106 : vector<16xf32>
    %mul3A_108 = arith.constant 4 : i32
    %mul3A_109 = arith.muli %select_n3A_28, %mul3A_108 : i32
    %add3A_110 = arith.constant 2 : i32
    %add3A_111 = arith.addi %mul3A_109, %add3A_110 : i32
    %lt3A_112 = arith.cmpi slt, %add3A_111, %select_n3A : i32
    %convert_element_type3A_113 = arith.extui %lt3A_112 : i1 to i32
    %convert_element_type3A_114 = arith.sitofp %convert_element_type3A_113 : i32 to f32
    %sub3A_115 = arith.constant 1 : i32
    %sub3A_116 = arith.subi %select_n3A, %sub3A_115 : i32
    %min3A_117 = arith.minsi %add3A_111, %sub3A_116 : i32
    %mul3A_118 = arith.constant 16 : i32
    %mul3A_119 = arith.muli %min3A_117, %mul3A_118 : i32
    %get3A_120 = arith.index_cast %mul3A_119 : i32 to index
    %get3A_121 = tpu.vector_load %arg7[%get3A_120] {strides = array<i32>} : memref<3136xi32, #tpu.memory_space<vmem>>, vector<16xi32>,
    %get3A_122 = arith.index_cast %mul3A_119 : i32 to index
    %get3A_123 = tpu.vector_load %arg8[%get3A_122] {strides = array<i32>} : memref<3136xi32, #tpu.memory_space<vmem>>, vector<16xi32>,
    %gather3A_124 = tpu.vector_load_idx %arg6[%get3A_121] : memref<50000xf32, #tpu.memory_space<vmem>>[vector<16xi32>], vector<16xf32>,
    %gather3A_125 = tpu.vector_load_idx %arg6[%get3A_123] : memref<50000xf32, #tpu.memory_space<vmem>>[vector<16xi32>], vector<16xf32>,
    %mul3A_126 = arith.mulf %get3A_8, %gather3A_124 : vector<16xf32>
    %add3A_127 = arith.addf %mul3A_126, %get3A_10 : vector<16xf32>
    %mul3A_128 = arith.mulf %add3A_127, %gather3A_125 : vector<16xf32>
    %mul3A_129 = arith.constant 2.000000e-01 : f32
    %mul3A_130 = vector.broadcast %mul3A_129 : f32 to vector<16xf32>
    %mul3A_131 = arith.mulf %mul3A_130, %mul3A_128 : vector<16xf32>
    %max3A_132 = arith.maximumf %mul3A_128, %mul3A_131 : vector<16xf32>
    %exp3A_133 = math.exp %max3A_132 : vector<16xf32>
    %add3A_134 = arith.addi %mul3A_0, %mul3A_119 : i32
    %get3A_135 = arith.index_cast %add3A_134 : i32 to index
    %get3A_136 = tpu.vector_load %arg6[%get3A_135] {strides = array<i32>} : memref<50000xf32, #tpu.memory_space<vmem>>, vector<16xf32>,
    %mul3A_137 = arith.mulf %exp3A_133, %get3A_136 : vector<16xf32>
    %mul3A_138 = vector.broadcast %convert_element_type3A_114 : f32 to vector<16xf32>
    %mul3A_139 = arith.mulf %mul3A_138, %exp3A_133 : vector<16xf32>
    %add3A_140 = arith.addf %add3A_104, %mul3A_139 : vector<16xf32>
    %mul3A_141 = vector.broadcast %convert_element_type3A_114 : f32 to vector<16xf32>
    %mul3A_142 = arith.mulf %mul3A_141, %mul3A_137 : vector<16xf32>
    %add3A_143 = arith.addf %add3A_107, %mul3A_142 : vector<16xf32>
    %mul3A_144 = arith.constant 32 : i32
    %mul3A_145 = arith.muli %arg1, %mul3A_144 : i32
    %reduce_sum3A = arith.constant true
    %reduce_sum3A_146 = vector.broadcast %reduce_sum3A : i1 to vector<16xi1>
    %reduce_sum3A_147 = tpu.scan <sum>, %add3A_140 masked %reduce_sum3A_146 : vector<16xf32>, vector<16xi1> -> vector<16xf32>
    %reduce_sum3A_148 = vector.extract %reduce_sum3A_147[15] : f32 from vector<16xf32>
    %broadcast_in_dim3A_149 = vector.broadcast %reduce_sum3A_148 : f32 to vector<16xf32>
    %swap3A = arith.constant 0 : index
    %swap3A_150 = tpu.vector_load %arg11[%swap3A] {strides = array<i32>} : memref<32xf32, #tpu.memory_space<vmem>>, vector<16xf32>,
    tpu.vector_store %arg11[%swap3A], %broadcast_in_dim3A_149 {strides = array<i32>} : memref<32xf32, #tpu.memory_space<vmem>>, vector<16xf32>,
    %reduce_sum3A_151 = arith.constant true
    %reduce_sum3A_152 = vector.broadcast %reduce_sum3A_151 : i1 to vector<16xi1>
    %reduce_sum3A_153 = tpu.scan <sum>, %add3A_143 masked %reduce_sum3A_152 : vector<16xf32>, vector<16xi1> -> vector<16xf32>
    %reduce_sum3A_154 = vector.extract %reduce_sum3A_153[15] : f32 from vector<16xf32>
    %broadcast_in_dim3A_155 = vector.broadcast %reduce_sum3A_154 : f32 to vector<16xf32>
    %swap3A_156 = arith.constant 16 : index
    %swap3A_157 = tpu.vector_load %arg11[%swap3A_156] {strides = array<i32>} : memref<32xf32, #tpu.memory_space<vmem>>, vector<16xf32>,
    tpu.vector_store %arg11[%swap3A_156], %broadcast_in_dim3A_155 {strides = array<i32>} : memref<32xf32, #tpu.memory_space<vmem>>, vector<16xf32>,
    "tpu.region"() ({
      %run_scoped3A = tpu.sem_alloc : memref<!tpu.dma_semaphore, #tpu.memory_space<semaphore_mem>>
      %dma_start3A = tpu.memref_slice %arg13[%mul3A_145] : memref<512xf32, #tpu.memory_space<vmem_shared>> -> memref<32xf32, #tpu.memory_space<vmem_shared>>
      %dma_start3A_271 = tpu.memref_slice %arg13[%mul3A_145] : memref<512xf32, #tpu.memory_space<vmem_shared>> -> memref<32xf32, #tpu.memory_space<vmem_shared>>
      tpu.enqueue_dma source(%arg11 : memref<32xf32, #tpu.memory_space<vmem>>) target(%dma_start3A_271 : memref<32xf32, #tpu.memory_space<vmem_shared>>) target_semaphore(%run_scoped3A : memref<!tpu.dma_semaphore, #tpu.memory_space<semaphore_mem>>)
      %dma_wait3A = tpu.memref_slice %arg13[%mul3A_145] : memref<512xf32, #tpu.memory_space<vmem_shared>> -> memref<32xf32, #tpu.memory_space<vmem_shared>>
      %dma_wait3A_272 = tpu.memref_slice %arg13[%mul3A_145] : memref<512xf32, #tpu.memory_space<vmem_shared>> -> memref<32xf32, #tpu.memory_space<vmem_shared>>
      tpu.wait_dma2 semaphore(%run_scoped3A : memref<!tpu.dma_semaphore, #tpu.memory_space<semaphore_mem>>) src(%arg11 : memref<32xf32, #tpu.memory_space<vmem>>) dst(%dma_wait3A_272 : memref<32xf32, #tpu.memory_space<vmem_shared>>)
      tpu.yield
    }) : () -> ()
    %barrier3A = arith.constant 0 : index
    tpu.barrier barrier_id(%barrier3A)
    "tpu.region"() ({
      %run_scoped3A = tpu.sem_alloc : memref<!tpu.dma_semaphore, #tpu.memory_space<semaphore_mem>>
      tpu.enqueue_dma source(%arg13 : memref<512xf32, #tpu.memory_space<vmem_shared>>) target(%arg12 : memref<512xf32, #tpu.memory_space<vmem>>) target_semaphore(%run_scoped3A : memref<!tpu.dma_semaphore, #tpu.memory_space<semaphore_mem>>)
      tpu.wait_dma2 semaphore(%run_scoped3A : memref<!tpu.dma_semaphore, #tpu.memory_space<semaphore_mem>>) src(%arg13 : memref<512xf32, #tpu.memory_space<vmem_shared>>) dst(%arg12 : memref<512xf32, #tpu.memory_space<vmem>>)
      tpu.yield
    }) : () -> ()
    %get3A_158 = arith.constant 0 : index
    %get3A_159 = tpu.vector_load %arg12[%get3A_158] {strides = array<i32>} : memref<512xf32, #tpu.memory_space<vmem>>, vector<16xf32>,
    %get3A_160 = arith.constant 16 : index
    %get3A_161 = tpu.vector_load %arg12[%get3A_160] {strides = array<i32>} : memref<512xf32, #tpu.memory_space<vmem>>, vector<16xf32>,
    %get3A_162 = arith.constant 32 : index
    %get3A_163 = tpu.vector_load %arg12[%get3A_162] {strides = array<i32>} : memref<512xf32, #tpu.memory_space<vmem>>, vector<16xf32>,
    %add3A_164 = arith.addf %get3A_159, %get3A_163 : vector<16xf32>
    %get3A_165 = arith.constant 48 : index
    %get3A_166 = tpu.vector_load %arg12[%get3A_165] {strides = array<i32>} : memref<512xf32, #tpu.memory_space<vmem>>, vector<16xf32>,
    %add3A_167 = arith.addf %get3A_161, %get3A_166 : vector<16xf32>
    %get3A_168 = arith.constant 64 : index
    %get3A_169 = tpu.vector_load %arg12[%get3A_168] {strides = array<i32>} : memref<512xf32, #tpu.memory_space<vmem>>, vector<16xf32>,
    %add3A_170 = arith.addf %add3A_164, %get3A_169 : vector<16xf32>
    %get3A_171 = arith.constant 80 : index
    %get3A_172 = tpu.vector_load %arg12[%get3A_171] {strides = array<i32>} : memref<512xf32, #tpu.memory_space<vmem>>, vector<16xf32>,
    %add3A_173 = arith.addf %add3A_167, %get3A_172 : vector<16xf32>
    %get3A_174 = arith.constant 96 : index
    %get3A_175 = tpu.vector_load %arg12[%get3A_174] {strides = array<i32>} : memref<512xf32, #tpu.memory_space<vmem>>, vector<16xf32>,
    %add3A_176 = arith.addf %add3A_170, %get3A_175 : vector<16xf32>
    %get3A_177 = arith.constant 112 : index
    %get3A_178 = tpu.vector_load %arg12[%get3A_177] {strides = array<i32>} : memref<512xf32, #tpu.memory_space<vmem>>, vector<16xf32>,
    %add3A_179 = arith.addf %add3A_173, %get3A_178 : vector<16xf32>
    %get3A_180 = arith.constant 128 : index
    %get3A_181 = tpu.vector_load %arg12[%get3A_180] {strides = array<i32>} : memref<512xf32, #tpu.memory_space<vmem>>, vector<16xf32>,
    %add3A_182 = arith.addf %add3A_176, %get3A_181 : vector<16xf32>
    %get3A_183 = arith.constant 144 : index
    %get3A_184 = tpu.vector_load %arg12[%get3A_183] {strides = array<i32>} : memref<512xf32, #tpu.memory_space<vmem>>, vector<16xf32>,
    %add3A_185 = arith.addf %add3A_179, %get3A_184 : vector<16xf32>
    %get3A_186 = arith.constant 160 : index
    %get3A_187 = tpu.vector_load %arg12[%get3A_186] {strides = array<i32>} : memref<512xf32, #tpu.memory_space<vmem>>, vector<16xf32>,
    %add3A_188 = arith.addf %add3A_182, %get3A_187 : vector<16xf32>
    %get3A_189 = arith.constant 176 : index
    %get3A_190 = tpu.vector_load %arg12[%get3A_189] {strides = array<i32>} : memref<512xf32, #tpu.memory_space<vmem>>, vector<16xf32>,
    %add3A_191 = arith.addf %add3A_185, %get3A_190 : vector<16xf32>
    %get3A_192 = arith.constant 192 : index
    %get3A_193 = tpu.vector_load %arg12[%get3A_192] {strides = array<i32>} : memref<512xf32, #tpu.memory_space<vmem>>, vector<16xf32>,
    %add3A_194 = arith.addf %add3A_188, %get3A_193 : vector<16xf32>
    %get3A_195 = arith.constant 208 : index
    %get3A_196 = tpu.vector_load %arg12[%get3A_195] {strides = array<i32>} : memref<512xf32, #tpu.memory_space<vmem>>, vector<16xf32>,
    %add3A_197 = arith.addf %add3A_191, %get3A_196 : vector<16xf32>
    %get3A_198 = arith.constant 224 : index
    %get3A_199 = tpu.vector_load %arg12[%get3A_198] {strides = array<i32>} : memref<512xf32, #tpu.memory_space<vmem>>, vector<16xf32>,
    %add3A_200 = arith.addf %add3A_194, %get3A_199 : vector<16xf32>
    %get3A_201 = arith.constant 240 : index
    %get3A_202 = tpu.vector_load %arg12[%get3A_201] {strides = array<i32>} : memref<512xf32, #tpu.memory_space<vmem>>, vector<16xf32>,
    %add3A_203 = arith.addf %add3A_197, %get3A_202 : vector<16xf32>
    %get3A_204 = arith.constant 256 : index
    %get3A_205 = tpu.vector_load %arg12[%get3A_204] {strides = array<i32>} : memref<512xf32, #tpu.memory_space<vmem>>, vector<16xf32>,
    %add3A_206 = arith.addf %add3A_200, %get3A_205 : vector<16xf32>
    %get3A_207 = arith.constant 272 : index
    %get3A_208 = tpu.vector_load %arg12[%get3A_207] {strides = array<i32>} : memref<512xf32, #tpu.memory_space<vmem>>, vector<16xf32>,
    %add3A_209 = arith.addf %add3A_203, %get3A_208 : vector<16xf32>
    %get3A_210 = arith.constant 288 : index
    %get3A_211 = tpu.vector_load %arg12[%get3A_210] {strides = array<i32>} : memref<512xf32, #tpu.memory_space<vmem>>, vector<16xf32>,
    %add3A_212 = arith.addf %add3A_206, %get3A_211 : vector<16xf32>
    %get3A_213 = arith.constant 304 : index
    %get3A_214 = tpu.vector_load %arg12[%get3A_213] {strides = array<i32>} : memref<512xf32, #tpu.memory_space<vmem>>, vector<16xf32>,
    %add3A_215 = arith.addf %add3A_209, %get3A_214 : vector<16xf32>
    %get3A_216 = arith.constant 320 : index
    %get3A_217 = tpu.vector_load %arg12[%get3A_216] {strides = array<i32>} : memref<512xf32, #tpu.memory_space<vmem>>, vector<16xf32>,
    %add3A_218 = arith.addf %add3A_212, %get3A_217 : vector<16xf32>
    %get3A_219 = arith.constant 336 : index
    %get3A_220 = tpu.vector_load %arg12[%get3A_219] {strides = array<i32>} : memref<512xf32, #tpu.memory_space<vmem>>, vector<16xf32>,
    %add3A_221 = arith.addf %add3A_215, %get3A_220 : vector<16xf32>
    %get3A_222 = arith.constant 352 : index
    %get3A_223 = tpu.vector_load %arg12[%get3A_222] {strides = array<i32>} : memref<512xf32, #tpu.memory_space<vmem>>, vector<16xf32>,
    %add3A_224 = arith.addf %add3A_218, %get3A_223 : vector<16xf32>
    %get3A_225 = arith.constant 368 : index
    %get3A_226 = tpu.vector_load %arg12[%get3A_225] {strides = array<i32>} : memref<512xf32, #tpu.memory_space<vmem>>, vector<16xf32>,
    %add3A_227 = arith.addf %add3A_221, %get3A_226 : vector<16xf32>
    %get3A_228 = arith.constant 384 : index
    %get3A_229 = tpu.vector_load %arg12[%get3A_228] {strides = array<i32>} : memref<512xf32, #tpu.memory_space<vmem>>, vector<16xf32>,
    %add3A_230 = arith.addf %add3A_224, %get3A_229 : vector<16xf32>
    %get3A_231 = arith.constant 400 : index
    %get3A_232 = tpu.vector_load %arg12[%get3A_231] {strides = array<i32>} : memref<512xf32, #tpu.memory_space<vmem>>, vector<16xf32>,
    %add3A_233 = arith.addf %add3A_227, %get3A_232 : vector<16xf32>
    %get3A_234 = arith.constant 416 : index
    %get3A_235 = tpu.vector_load %arg12[%get3A_234] {strides = array<i32>} : memref<512xf32, #tpu.memory_space<vmem>>, vector<16xf32>,
    %add3A_236 = arith.addf %add3A_230, %get3A_235 : vector<16xf32>
    %get3A_237 = arith.constant 432 : index
    %get3A_238 = tpu.vector_load %arg12[%get3A_237] {strides = array<i32>} : memref<512xf32, #tpu.memory_space<vmem>>, vector<16xf32>,
    %add3A_239 = arith.addf %add3A_233, %get3A_238 : vector<16xf32>
    %get3A_240 = arith.constant 448 : index
    %get3A_241 = tpu.vector_load %arg12[%get3A_240] {strides = array<i32>} : memref<512xf32, #tpu.memory_space<vmem>>, vector<16xf32>,
    %add3A_242 = arith.addf %add3A_236, %get3A_241 : vector<16xf32>
    %get3A_243 = arith.constant 464 : index
    %get3A_244 = tpu.vector_load %arg12[%get3A_243] {strides = array<i32>} : memref<512xf32, #tpu.memory_space<vmem>>, vector<16xf32>,
    %add3A_245 = arith.addf %add3A_239, %get3A_244 : vector<16xf32>
    %get3A_246 = arith.constant 480 : index
    %get3A_247 = tpu.vector_load %arg12[%get3A_246] {strides = array<i32>} : memref<512xf32, #tpu.memory_space<vmem>>, vector<16xf32>,
    %add3A_248 = arith.addf %add3A_242, %get3A_247 : vector<16xf32>
    %get3A_249 = arith.constant 496 : index
    %get3A_250 = tpu.vector_load %arg12[%get3A_249] {strides = array<i32>} : memref<512xf32, #tpu.memory_space<vmem>>, vector<16xf32>,
    %add3A_251 = arith.addf %add3A_245, %get3A_250 : vector<16xf32>
    %div3A_252 = arith.divf %add3A_251, %add3A_248 : vector<16xf32>
    %while3A_253 = arith.constant 0 : i32
    %while3A_254 = arith.constant 0 : i32
    %while3A_255 = arith.subi %select_n3A, %while3A_254 : i32
    %while3A_256 = arith.addi %while3A_254, %while3A_255 : i32
    %while3A_257 = arith.constant 1 : i32
    %while3A_258 = arith.divsi %while3A_255, %while3A_257 : i32
    %while3A_259 = arith.muli %while3A_258, %while3A_257 : i32
    %while3A_260 = arith.addi %while3A_254, %while3A_259 : i32
    %while3A_261 = arith.constant 1 : i32
    scf.for %while3A_271 = %while3A_254 to %while3A_260 step %while3A_261  : i32 {
      %mul3A_272 = arith.constant 16 : i32
      %mul3A_273 = arith.muli %while3A_271, %mul3A_272 : i32
      %swap3A_274 = arith.index_cast %mul3A_273 : i32 to index
      %swap3A_275 = tpu.vector_load %arg9[%swap3A_274] {strides = array<i32>} : memref<3136xf32, #tpu.memory_space<vmem>>, vector<16xf32>,
      tpu.vector_store %arg9[%swap3A_274], %div3A_252 {strides = array<i32>} : memref<3136xf32, #tpu.memory_space<vmem>>, vector<16xf32>,
    }
    %while3A_262 = arith.constant 1 : i32
    scf.for %while3A_271 = %while3A_260 to %while3A_256 step %while3A_262  : i32 {
      %mul3A_272 = arith.constant 16 : i32
      %mul3A_273 = arith.muli %while3A_271, %mul3A_272 : i32
      %swap3A_274 = arith.index_cast %mul3A_273 : i32 to index
      %swap3A_275 = tpu.vector_load %arg9[%swap3A_274] {strides = array<i32>} : memref<3136xf32, #tpu.memory_space<vmem>>, vector<16xf32>,
      tpu.vector_store %arg9[%swap3A_274], %div3A_252 {strides = array<i32>} : memref<3136xf32, #tpu.memory_space<vmem>>, vector<16xf32>,
    }
    %convert_element_type3A_263 = arith.extui %eq3A_1 : i1 to i32
    %cond3A_264 = arith.constant 0 : i32
    %cond3A_265 = arith.cmpi ne, %convert_element_type3A_263, %cond3A_264 : i32
    scf.if %cond3A_265 {
      "tpu.region"() ({
        %run_scoped3A = tpu.sem_alloc : memref<!tpu.dma_semaphore, #tpu.memory_space<semaphore_mem>>
        %dma_start3A = arith.constant 0 : i32
        %dma_start3A_271 = tpu.memref_slice %arg9[%dma_start3A] : memref<3136xf32, #tpu.memory_space<vmem>> -> memref<2960xf32, #tpu.memory_space<vmem>>
        %dma_start3A_272 = tpu.memref_slice %arg5[%mul3A_0] : memref<50000xf32, #tpu.memory_space<hbm>> -> memref<2960xf32, #tpu.memory_space<hbm>>
        %dma_start3A_273 = tpu.memref_slice %arg5[%mul3A_0] : memref<50000xf32, #tpu.memory_space<hbm>> -> memref<2960xf32, #tpu.memory_space<hbm>>
        %dma_start3A_274 = arith.constant 0 : i32
        %dma_start3A_275 = tpu.memref_slice %arg9[%dma_start3A_274] : memref<3136xf32, #tpu.memory_space<vmem>> -> memref<2960xf32, #tpu.memory_space<vmem>>
        tpu.enqueue_dma source(%dma_start3A_275 : memref<2960xf32, #tpu.memory_space<vmem>>) target(%dma_start3A_273 : memref<2960xf32, #tpu.memory_space<hbm>>) target_semaphore(%run_scoped3A : memref<!tpu.dma_semaphore, #tpu.memory_space<semaphore_mem>>)
        %dma_wait3A = arith.constant 0 : i32
        %dma_wait3A_276 = tpu.memref_slice %arg9[%dma_wait3A] : memref<3136xf32, #tpu.memory_space<vmem>> -> memref<2960xf32, #tpu.memory_space<vmem>>
        %dma_wait3A_277 = tpu.memref_slice %arg5[%mul3A_0] : memref<50000xf32, #tpu.memory_space<hbm>> -> memref<2960xf32, #tpu.memory_space<hbm>>
        %dma_wait3A_278 = tpu.memref_slice %arg5[%mul3A_0] : memref<50000xf32, #tpu.memory_space<hbm>> -> memref<2960xf32, #tpu.memory_space<hbm>>
        %dma_wait3A_279 = arith.constant 0 : i32
        %dma_wait3A_280 = tpu.memref_slice %arg9[%dma_wait3A_279] : memref<3136xf32, #tpu.memory_space<vmem>> -> memref<2960xf32, #tpu.memory_space<vmem>>
        tpu.wait_dma2 semaphore(%run_scoped3A : memref<!tpu.dma_semaphore, #tpu.memory_space<semaphore_mem>>) src(%dma_wait3A_280 : memref<2960xf32, #tpu.memory_space<vmem>>) dst(%dma_wait3A_278 : memref<2960xf32, #tpu.memory_space<hbm>>)
        tpu.yield
      }) : () -> ()
    } else {
    }
    %not3A_266 = arith.constant true
    %not3A_267 = arith.xori %eq3A_1, %not3A_266 : i1
    %convert_element_type3A_268 = arith.extui %not3A_267 : i1 to i32
    %cond3A_269 = arith.constant 0 : i32
    %cond3A_270 = arith.cmpi ne, %convert_element_type3A_268, %cond3A_269 : i32
    scf.if %cond3A_270 {
      "tpu.region"() ({
        %run_scoped3A = tpu.sem_alloc : memref<!tpu.dma_semaphore, #tpu.memory_space<semaphore_mem>>
        %dma_start3A = tpu.memref_slice %arg5[%mul3A_0] : memref<50000xf32, #tpu.memory_space<hbm>> -> memref<3136xf32, #tpu.memory_space<hbm>>
        %dma_start3A_271 = tpu.memref_slice %arg5[%mul3A_0] : memref<50000xf32, #tpu.memory_space<hbm>> -> memref<3136xf32, #tpu.memory_space<hbm>>
        tpu.enqueue_dma source(%arg9 : memref<3136xf32, #tpu.memory_space<vmem>>) target(%dma_start3A_271 : memref<3136xf32, #tpu.memory_space<hbm>>) target_semaphore(%run_scoped3A : memref<!tpu.dma_semaphore, #tpu.memory_space<semaphore_mem>>)
        %dma_wait3A = tpu.memref_slice %arg5[%mul3A_0] : memref<50000xf32, #tpu.memory_space<hbm>> -> memref<3136xf32, #tpu.memory_space<hbm>>
        %dma_wait3A_272 = tpu.memref_slice %arg5[%mul3A_0] : memref<50000xf32, #tpu.memory_space<hbm>> -> memref<3136xf32, #tpu.memory_space<hbm>>
        tpu.wait_dma2 semaphore(%run_scoped3A : memref<!tpu.dma_semaphore, #tpu.memory_space<semaphore_mem>>) src(%arg9 : memref<3136xf32, #tpu.memory_space<vmem>>) dst(%dma_wait3A_272 : memref<3136xf32, #tpu.memory_space<hbm>>)
        tpu.yield
      }) : () -> ()
    } else {
    }
    return
  }
}

module attributes {stable_mosaic.version = 14 : i64} {
  func.func @_matvec_body(%arg0: i32, %arg1: memref<5000x512xf32, #tpu.memory_space<vmem>>, %arg2: memref<1x512xf32, #tpu.memory_space<vmem>>, %arg3: memref<1x1xf32, #tpu.memory_space<smem>>, %arg4: memref<1x1xf32, #tpu.memory_space<smem>>, %arg5: memref<5000x1xf32, #tpu.memory_space<vmem>>, %arg6: memref<1x32xf32, #tpu.memory_space<vmem>>) attributes {dimension_semantics = [#tpu.dimension_semantics<arbitrary>], iteration_bounds = array<i64: 10>, scalar_prefetch = 0 : i64, scratch_operands = 0 : i64, tpu.core_type = #tpu.core_type<tc>, window_params = [{transform_indices = @transform_0, window_bounds = array<i64: 5000, 512>}, {pipeline_mode = #tpu.pipeline_mode<synchronous>, transform_indices = @transform_1, window_bounds = array<i64: 1, 512>}, {transform_indices = @transform_2, window_bounds = array<i64: 1, 1>}, {transform_indices = @transform_3, window_bounds = array<i64: 1, 1>}, {transform_indices = @transform_4, window_bounds = array<i64: 5000, 1>}, {pipeline_mode = #tpu.pipeline_mode<synchronous>, transform_indices = @transform_5, window_bounds = array<i64: 1, 32>}]} {
    %get3A = arith.constant 0 : index
    %get3A_0 = arith.constant 0 : index
    %get3A_1 = vector.load %arg1[%get3A, %get3A_0] : memref<5000x512xf32, #tpu.memory_space<vmem>>, vector<5000x512xf32>
    %convert_element_type3A = arith.truncf %get3A_1 : vector<5000x512xf32> to vector<5000x512xbf16>
    %convert_element_type3A_2 = arith.extf %convert_element_type3A : vector<5000x512xbf16> to vector<5000x512xf32>
    %get3A_3 = arith.constant 0 : index
    %get3A_4 = arith.constant 0 : index
    %get3A_5 = vector.load %arg2[%get3A_3, %get3A_4] : memref<1x512xf32, #tpu.memory_space<vmem>>, vector<1x512xf32>
    %convert_element_type3A_6 = arith.truncf %get3A_5 : vector<1x512xf32> to vector<1x512xbf16>
    %convert_element_type3A_7 = arith.extf %convert_element_type3A_6 : vector<1x512xbf16> to vector<1x512xf32>
    %mul3A = vector.broadcast %convert_element_type3A_7 : vector<1x512xf32> to vector<5000x512xf32>
    %mul3A_8 = arith.mulf %convert_element_type3A_2, %mul3A : vector<5000x512xf32>
    %reduce_sum3A = arith.constant dense<0.000000e+00> : vector<5000xf32>
    %reduce_sum3A_9 = vector.multi_reduction <add>, %mul3A_8, %reduce_sum3A [1] : vector<5000x512xf32> to vector<5000xf32>
    %broadcast_in_dim3A = vector.shape_cast %reduce_sum3A_9 : vector<5000xf32> to vector<5000x1xf32>
    %swap3A = arith.constant 0 : index
    %swap3A_10 = arith.constant 0 : index
    %swap3A_11 = vector.load %arg5[%swap3A, %swap3A_10] : memref<5000x1xf32, #tpu.memory_space<vmem>>, vector<5000x1xf32>
    tpu.vector_store %arg5[%swap3A, %swap3A_10], %broadcast_in_dim3A {strides = array<i32>} : memref<5000x1xf32, #tpu.memory_space<vmem>>, vector<5000x1xf32>,
    %eq3A = arith.constant 0 : i32
    %eq3A_12 = arith.cmpi eq, %arg0, %eq3A : i32
    %convert_element_type3A_13 = arith.extui %eq3A_12 : i1 to i32
    %cond3A = arith.constant 0 : i32
    %cond3A_14 = arith.cmpi ne, %convert_element_type3A_13, %cond3A : i32
    scf.if %cond3A_14 {
      %iota3A = tpu.iota {dimensions = array<i32: 1>} : vector<1x32xi32>
      %lt3A = arith.constant 16 : i32
      %lt3A_15 = vector.broadcast %lt3A : i32 to vector<1x32xi32>
      %lt3A_16 = arith.cmpi slt, %iota3A, %lt3A_15 : vector<1x32xi32>
      %get3A_17 = arith.constant 0 : index
      %get3A_18 = arith.constant 0 : index
      %get3A_19 = memref.load %arg3[%get3A_17, %get3A_18] : memref<1x1xf32, #tpu.memory_space<smem>>
      %get3A_20 = arith.constant 0 : index
      %get3A_21 = arith.constant 0 : index
      %get3A_22 = memref.load %arg4[%get3A_20, %get3A_21] : memref<1x1xf32, #tpu.memory_space<smem>>
      %broadcast_in_dim3A_23 = vector.broadcast %get3A_19 : f32 to vector<1x32xf32>
      %broadcast_in_dim3A_24 = vector.broadcast %get3A_22 : f32 to vector<1x32xf32>
      %select_n3A = arith.select %lt3A_16, %broadcast_in_dim3A_23, %broadcast_in_dim3A_24 : vector<1x32xi1>, vector<1x32xf32>
      %swap3A_25 = arith.constant 0 : index
      %swap3A_26 = arith.constant 0 : index
      %swap3A_27 = vector.load %arg6[%swap3A_25, %swap3A_26] : memref<1x32xf32, #tpu.memory_space<vmem>>, vector<1x32xf32>
      tpu.vector_store %arg6[%swap3A_25, %swap3A_26], %select_n3A {strides = array<i32>} : memref<1x32xf32, #tpu.memory_space<vmem>>, vector<1x32xf32>,
    } else {
    }
    return
  }
  func.func @transform_0(%arg0: i32) -> (i32, i32) {
    %c0_i32 = arith.constant 0 : i32
    %c0_i32_0 = arith.constant 0 : i32
    return %arg0, %c0_i32 : i32, i32
  }
  func.func @transform_1(%arg0: i32) -> (i32, i32) {
    %c0_i32 = arith.constant 0 : i32
    %c0_i32_0 = arith.constant 0 : i32
    %c0_i32_1 = arith.constant 0 : i32
    return %c0_i32, %c0_i32_0 : i32, i32
  }
  func.func @transform_2(%arg0: i32) -> (i32, i32) {
    %c0_i32 = arith.constant 0 : i32
    %c0_i32_0 = arith.constant 0 : i32
    %c0_i32_1 = arith.constant 0 : i32
    return %c0_i32, %c0_i32_0 : i32, i32
  }
  func.func @transform_3(%arg0: i32) -> (i32, i32) {
    %c0_i32 = arith.constant 0 : i32
    %c0_i32_0 = arith.constant 0 : i32
    %c0_i32_1 = arith.constant 0 : i32
    return %c0_i32, %c0_i32_0 : i32, i32
  }
  func.func @transform_4(%arg0: i32) -> (i32, i32) {
    %c0_i32 = arith.constant 0 : i32
    %c0_i32_0 = arith.constant 0 : i32
    return %arg0, %c0_i32 : i32, i32
  }
  func.func @transform_5(%arg0: i32) -> (i32, i32) {
    %c0_i32 = arith.constant 0 : i32
    %c0_i32_0 = arith.constant 0 : i32
    %c0_i32_1 = arith.constant 0 : i32
    return %c0_i32, %c0_i32_0 : i32, i32
  }
}

</mosaic_0001>

<sc_bundles>
// kernel: kernel.4.cloned.1.call-start
scs
__scs_entry_jumppad:
0x0: {  	(pc) =	sbr.rel $0x88, $3  }
0x1: {  	(tag) =	ssettag $0x0;
	lr =	simm.s32 $0x1  }
0x2: {  	[smem:$0x3F9C] =	sst lr;
	_ =	strace $0xD0000000  }
0x3: {  	_ = 	snop  }
0x4: {  	_ = 	snop  }
0x5: {  	_ = 	snop  }
0x6: {  	_ = 	snop  }
0x7: {  	_ = 	snop  }
__scs_overlays_trampoline_lowered:
0x8: {  	[smem:$0x3FAB] =	sst s0  }
0x9: {  	[smem:$0x3FAC] =	sst s1  }
0xa: {  	[smem:$0x3FAD] =	sst s2  }
0xb: {  	[smem:$0x3FAE] =	sst s3  }
0xc: {  	[smem:$0x3FAF] =	sst s4  }
0xd: {  	[smem:$0x3FB0] =	sst s5  }
0xe: {  	[smem:$0x3FB1] =	sst s6  }
0xf: {  	[smem:$0x3FB2] =	sst s7  }
0x10: {  	[smem:$0x3FB3] =	sst s8  }
0x11: {  	[smem:$0x3FB4] =	sst s9;
	s0 =	simm.s32 @!p0 $0x0  }
0x12: {  	s1 =	sld [smem:$0x3F9A];
	s0 =	simm.s32 @p0 $0x1  }
0x13: {  	[smem:$0x3FB5] =	sst s0;
	s0 =	simm.s32 @!p1 $0x0  }
0x14: {  	s2 =	sld [smem:$0x3F99];
	s0 =	simm.s32 @p1 $0x1  }
0x15: {  	[smem:$0x3FB6] =	sst s0;
	s0 =	simm.s32 @!p2 $0x0  }
0x16: {  	s3 =	sld [smem:$0x3FDB];
	s0 =	simm.s32 @p2 $0x1  }
0x17: {  	s4 =	simm.s32 $0x1BF5;
	[smem:$0x3FB8] =	sst s0  }
0x18: {  	s0 =	sld [smem:$0x3F9B];
	_ =	swait.ge [sflag:s4], $0x0  }
0x19: {  	s7 =	sld [smem:$0x3F9C]  }
0x1a: {  	s8 =	sadd.s32 $0xFFFFE003, lr  }
0x1b: {  	s9 =	sadd.s32 $0xFFFFFEF7, lr;
	s5 =	simm.s32 $0xFFFFFFFF;
	p2 =	slt.u32 s8, $0xFFFFF086  }
0x1c: {  	p1 =	slt.u32 s9, $0xF7A;
	s5 =	simm.s32 @!p2 $0x0  }
0x1d: {  	s5 =	simm.s32 @p1 $0x1;
	p0 =	seq.s32 s7, s2  }
0x1e: {  	s7 =	smul.u32 @!p0 $0xF7A, s2;
	p2 =	seq.s32 @!p0 s5, $0x0  }
0x1f: {  	s9 =	smul.u32 $0xF7A, s1;
	s8 =	simm.s32 @!p0 $0x1BF5;
	p2 =	por !p2, p0  }
0x20: {  	[sflag:s8] =	ssyncset.s32 @!p0 $0xFFFFF086;
	s6 =	sadd.s32 @!p0 s3, s7;
	s7 =	simm.s32 @!p0 $0x108  }
0x21: {  	s3 =	sadd.s32 s3, s9;
	s6 =	sadd.s32 @!p0 $0x88, s6;
	s7 =	simm.s32 @p2 $0x1082  }
0x22: {  	[simem:s7], [sflag:s8] =	dma.local @!p0 [hbm:s6], $0xF7A  }
0x23: {  	s9 =	sor.u32 $0xD0000000, s2;
	s6 =	simm.s32 $0x108;
	_ =	swait.ge @!p0 [sflag:s8], $0x0  }
0x24: {  	s3 =	sadd.s32 $0x88, s3;
	s6 =	simm.s32 @!p1 $0x1082;
	[sflag:s4] =	ssyncset.s32 $0xFFFFF086  }
0x25: {  	[simem:s6], [sflag:s4] =	dma.local [hbm:s3], $0xF7A  }
0x26: {  	[smem:$0x3F9C] =	sst s1;
	(tag) =	ssettag s2;
	_ =	strace s9  }
0x27: {  	s1 =	sld [smem:$0x3FAC]  }
0x28: {  	s2 =	sld [smem:$0x3FAD]  }
0x29: {  	s4 =	sld [smem:$0x3FAF]  }
0x2a: {  	p0 =	seq.s32 s5, $0x0;
	s5 =	sld [smem:$0x3FB0]  }
0x2b: {  	s6 =	sld [smem:$0x3FB1]  }
0x2c: {  	s7 =	sld [smem:$0x3FB2]  }
0x2d: {  	s3 =	simm.s32 $0x108;
	s8 =	sld [smem:$0x3FB3]  }
0x2e: {  	s3 =	simm.s32 @!p0 $0x1082;
	s9 =	sld [smem:$0x3FB4]  }
0x2f: {  	lr =	sadd.s32 s0, s3;
	s0 =	sld [smem:$0x3FAB]  }
0x30: {  	s3 =	sld [smem:$0x3FAE]  }
0x31: {  	[smem:$0x3FB7] =	sst s10  }
0x32: {  	s10 =	sld [smem:$0x3FB5];
	_ =	sdelay $0x3  }
0x33: {  	p0 =	seq.s32 s10, $0x1;
	s10 =	sld [smem:$0x3FB7];
	_ =	sdelay $0x3  }
0x34: {  	[smem:$0x3FB7] =	sst s10  }
0x35: {  	s10 =	sld [smem:$0x3FB6];
	_ =	sdelay $0x3  }
0x36: {  	p1 =	seq.s32 s10, $0x1;
	s10 =	sld [smem:$0x3FB7];
	_ =	sdelay $0x3  }
0x37: {  	[smem:$0x3FB7] =	sst s10  }
0x38: {  	s10 =	sld [smem:$0x3FB8]  }
0x39: {  	_ = 	snop;
	(pc) =	sbr.ind lr, $3  }
0x3a: {  	_ = 	snop  }
0x3b: {  	_ = 	snop  }
0x3c: {  	p2 =	seq.s32 s10, $0x1;
	s10 =	sld [smem:$0x3FB7]  }
0x3d: {  	_ =	shalt  }
0x3e: {  	_ =	shalt  }
0x3f: {  	_ =	shalt  }
0x40: {  	_ =	shalt  }
0x41: {  	_ =	shalt  }
0x42: {  	_ =	shalt  }
0x43: {  	_ =	shalt  }
0x44: {  	_ =	shalt  }
0x45: {  	_ =	shalt  }
0x46: {  	_ =	shalt  }
0x47: {  	_ =	shalt  }
0x48: {  	_ =	shalt  }
0x49: {  	_ =	shalt  }
0x4a: {  	_ =	shalt  }
0x4b: {  	_ =	shalt  }
0x4c: {  	_ =	shalt  }
0x4d: {  	_ =	shalt  }
0x4e: {  	_ =	shalt  }
0x4f: {  	_ =	shalt  }
0x50: {  	_ =	shalt  }
0x51: {  	_ =	shalt  }
0x52: {  	_ =	shalt  }
0x53: {  	_ =	shalt  }
0x54: {  	_ =	shalt  }
0x55: {  	_ =	shalt  }
0x56: {  	_ =	shalt  }
0x57: {  	_ =	shalt  }
0x58: {  	_ =	shalt  }
0x59: {  	_ =	shalt  }
0x5a: {  	_ =	shalt  }
0x5b: {  	_ =	shalt  }
0x5c: {  	_ =	shalt  }
0x5d: {  	_ =	shalt  }
0x5e: {  	_ =	shalt  }
0x5f: {  	_ =	shalt  }
0x60: {  	_ =	shalt  }
0x61: {  	_ =	shalt  }
0x62: {  	_ =	shalt  }
0x63: {  	_ =	shalt  }
0x64: {  	_ =	shalt  }
0x65: {  	_ =	shalt  }
0x66: {  	_ =	shalt  }
0x67: {  	_ =	shalt  }
0x68: {  	_ =	shalt  }
0x69: {  	_ =	shalt  }
0x6a: {  	_ =	shalt  }
0x6b: {  	_ =	shalt  }
0x6c: {  	_ =	shalt  }
0x6d: {  	_ =	shalt  }
0x6e: {  	_ =	shalt  }
0x6f: {  	_ =	shalt  }
0x70: {  	_ =	shalt  }
0x71: {  	_ =	shalt  }
0x72: {  	_ =	shalt  }
0x73: {  	_ =	shalt  }
0x74: {  	_ =	shalt  }
0x75: {  	_ =	shalt  }
0x76: {  	_ =	shalt  }
0x77: {  	_ =	shalt  }
0x78: {  	_ =	shalt  }
0x79: {  	_ =	shalt  }
0x7a: {  	_ =	shalt  }
0x7b: {  	_ =	shalt  }
0x7c: {  	_ =	shalt  }
0x7d: {  	_ =	shalt  }
0x7e: {  	_ =	shalt  }
0x7f: {  	_ =	shalt  }
0x80: {  	_ =	shalt  }
0x81: {  	_ =	shalt  }
0x82: {  	_ =	shalt  }
0x83: {  	_ =	shalt  }
0x84: {  	_ =	shalt  }
0x85: {  	_ =	shalt  }
0x86: {  	_ =	shalt  }
0x87: {  	_ =	shalt  }
.Lfunc_end0:
.L_simem_size_0:
called_computation_lowered:
.L_overlay_start_0:
0x88: {  	s0 =	sld [smem:$0x3FD9]  }
0x89: {  	s1 =	sld [smem:$0x3FFE];
	_ =	sdelay $0x3  }
0x8a: {  	s0 =	sadd.s32 s1, s0  }
0x8b: {  	[smem:$0x3FC3] =	sst s0  }
0x8c: {  	_ = 	snop  }
0x8d: {  	s0 =	sld [smem:$0x3FD0];
	(tm) =	ssettm $0x1  }
0x8e: {  	s16 =	sld [smem:$0x3FFB];
	_ =	sdelay $0x3  }
0x8f: {  	_ =	strace s16  }
0x90: {  	s1 =	sld [smem:$0x3FFC];
	_ =	sdelay $0x3  }
0x91: {  	_ =	strace s1  }
0x92: {  	s1 =	sld [smem:$0x3FFD];
	_ =	sdelay $0x3  }
0x93: {  	_ =	strace s1  }
0x94: {  	_ =	strace $0x8FFFFFFF  }
0x95: {  	s17 =	sld [smem:$0x3FDB];
	_ =	sdelay $0x1  }
0x96: {  	s2 =	simm.s32 $_scs_section_size  }
0x97: {  	s3 =	simm.s32 $_size__tile_overlayer_lowered;
	s4 =	simm.s32 $_tile_overlayer_lowered  }
0x98: {  	s20 =	simm.s32 $0x1BFF;
	s19 =	sshll.u32 s4, $0x1;
	s1 =	sadd.s32 s2, s17  }
0x99: {  	s5 =	simm.s32 $0x0;
	s18 =	sshll.u32 s3, $0x1;
	s3 =	sadd.s32 s19, s1  }
0x9a: {  	[timem:s5], [sflag:s20] =	dma.local [hbm:s3], s18  }
0x9b: {  	_ =	swait.ge [sflag:s20], s18  }
0x9c: {  	s2 =	ssub.s32 $0x0, s18;
	[sflag:s20] =	ssyncset.done $0x0  }
0x9d: {  	[sflag:s20] =	ssyncadd.s32 s2;
	_ =	sdelay $0x1  }
0x9e: {  	s21 =	simm.s32 $0x1B8B  }
0x9f: {  	_ =	swait.ge [sflag:s21], $0x1  }
0xa0: {  	[sflag:s21] =	ssyncset.done $0x0  }
0xa1: {  	s23 =	simm.s32 $0x1B8E;
	s22 =	sld [smem:$0x3FFE];
	[sflag:s21] =	ssyncadd.s32 $0xFFFFFFFF  }
0xa2: {  	s24 =	simm.s32 $execute0_lowered;
	[smem:$0x3FD2] =	sst s23  }
0xa3: {  	s3 =	sshll.u32 s24, $0x1;
	_ =	strace $0x80000046;
	[dreg:$0x1] =	wrdreg $0xFFFFFFFF  }
0xa4: {  	s25 =	simm.s32 $_size_execute0_lowered;
	s1 =	sadd.s32 s1, s3;
	[dreg:$0x0] =	wrdreg $0x0  }
0xa5: {  	s3 =	sshll.u32 s25, $0x1;
	[dreg:$0x2] =	wrdreg s1  }
0xa6: {  	[dreg:$0x3] =	wrdreg s3  }
0xa7: {  	[dreg:$0x4] =	wrdreg $0xC0  }
0xa8: {  	_ =	task [dreg:s5], $0x5FFFF  }
0xa9: {  	[dreg:$0x1] =	wrdreg $0xFFFFFFFF  }
0xaa: {  	[dreg:$0x0] =	wrdreg $0x60  }
0xab: {  	[dreg:$0x2] =	wrdreg s22  }
0xac: {  	[dreg:$0x3] =	wrdreg s0  }
0xad: {  	[dreg:$0x4] =	wrdreg $0xEC000  }
0xae: {  	[dreg:$0x5] =	wrdreg $0x9  }
0xaf: {  	_ =	task.clear_ibuf [dreg:s5], $0x6FFFF;
	_ =	strace $0x90000046  }
0xb0: {  	s26 =	simm.s32 $0x9;
	_ =	strace $0x80000048  }
0xb1: {  	_ =	swait.ge [sflag:s26], $0x1  }
0xb2: {  	[sflag:s26] =	ssyncadd.s32 $0xFFFFFFFF  }
0xb3: {  	_ =	strace $0x90000048  }
0xb4: {  	_ =	sfence  }
0xb5: {  	s28 =	sld [smem:$0x0];
	_ =	sdelay $0x1  }
0xb6: {  	s29 =	srdreg.scid  }
0xb7: {  	s30 =	sshll.u32 s29, $0xD;
	s31 =	sshrl.u32 s29, $0x2  }
0xb8: {  	s2 =	sand.u32 $0x4000, s30;
	s1 =	sand.u32 $0x1, s29;
	s0 =	sadd.s32 s31, s28  }
0xb9: {  	s1 =	sor.u32 s2, s1;
	s0 =	sshll.u32 s0, $0x11  }
0xba: {  	s0 =	sor.u32 s0, s1  }
0xbb: {  	s0 =	sadd.s32 $0x8F2B, s0  }
0xbc: {  	[sflag:s0] =	ssyncadd.remote.s32 $0x1  }
0xbd: {  	_ =	sfence.sel $0xFFFF  }
0xbe: {  	[dreg:$0x0] =	wrdreg $0xFFFFFFFF;
	(pc) =	sbr.abs _section_cstart, $3  }
0xbf: {  	[dreg:$0x1] =	wrdreg $0xFFFFFFFF  }
0xc0: {  	_ =	task.clear_ibuf [dreg:s5], $0x2FFFF;
	_ =	strace $0x9FFFFFFF  }
0xc1: {  	(tm) =	ssettm $0x7FFFFFFF  }
tec
execute0_lowered:
.L_overlay_start_1:
0x0: {  	(tag) =	ssettag $0x1  }
0x1: {  	s4 =	rddreg [dreg:$0x0]  }
0x2: {  	s2 =	rddreg [dreg:$0x1]  }
0x3: {  	s6 =	rddreg [dreg:$0x2]  }
0x4: {  	s0 =	rddreg [dreg:$0x3];
	s8 =	simm.s32 $0x0  }
0x5: {  	s1 =	stileid.u32;
	s9 =	simm.s32 $0xE900;
	[smem:$0x7FF] =	sst s8  }
0x6: {  	s3 =	sadd.s32 $0xC7000, s4;
	s5 =	smul.u32 $0xC40, s1;
	_ =	strace $0x80000047  }
0x7: {  	[tilespmem:s8], [sflag:$0x1] =	stream.linear.gather [hbm4b:s3+s8], $0xC380, $0x38;
	[tilespmem:$0xEC20] =	vst v63  }
0x8: {  	s7 =	sadd.s32 $0x800, s4;
	p0 =	sne.s32 s1, $0xF;
	s3 =	sshrl.u32 s5, $0x3  }
0x9: {  	[tilespmem:s9], [sflag:$0x3] =	stream.linear.gather [hbm4b:s2+s8], $0x80, $0x38;
	[tilespmem:$0xEC20] =	vst v63  }
0xa: {  	s10 =	simm.s32 @p0 $0xC380;
	s2 =	sadd.s32 @p0 s7, s3;
	s9 =	simm.s32 @p0 $0x0  }
0xb: {  	[tilespmem:s10], [sflag:$0x2] =	stream.linear.gather @p0 [hbm4b:s2+s9], $0xC40, $0x38;
	[tilespmem:$0xEC20] =	vst v63  }
0xc: {  	s10 =	simm.s32 @p0 $0x2  }
0xd: {  	s2 =	sshrl.u32 @p0 s5, $0x3;
	_ =	swait.ge @p0 [sflag:s10], $0xC40  }
0xe: {  	s19 =	simm.f32 $1.000000000e+00;
	s2 =	sadd.s32 @p0 s7, s2;
	[sflag:s10] =	ssyncset.done @p0 $0x0  }
0xf: {  	s11 =	simm.s32 @p0 $0xD000;
	s2 =	sadd.s32 @p0 $0x186A, s2;
	[sflag:s10] =	ssyncadd.s32 @p0 $0xFFFFF3C0  }
0x10: {  	[tilespmem:s11], [sflag:$0x2] =	stream.linear.gather @p0 [hbm4b:s2+s9], $0xC40, $0x38;
	[tilespmem:$0xEC20] =	vst v63  }
0x11: {  	s20 =	simm.f32 $1.000000000e+00;
	s14 =	simm.s32 $0x1;
	_ =	swait.ge @p0 [sflag:s10], $0xC40  }
0x12: {  	s29 =	simm.s32 $0x3;
	s9 =	sadd.s32 @!p0 $0x16F8, s7;
	[sflag:s10] =	ssyncset.done @p0 $0x0  }
0x13: {  	s11 =	simm.s32 @!p0 $0xC380;
	[sflag:s10] =	ssyncadd.s32 @p0 $0xFFFFF3C0;
	s10 =	simm.s32 @!p0 $0x0  }
0x14: {  	[tilespmem:s11], [sflag:$0x2] =	stream.linear.gather @!p0 [hbm4b:s9+s10], $0xB90, $0x38;
	[tilespmem:$0xEC20] =	vst v63  }
0x15: {  	s18 =	simm.s32 $0xC3A0;
	p2 =	por $0x0, $0x0;
	s9 =	simm.s32 @!p0 $0x2  }
0x16: {  	p1 =	seq.s32 s1, $0xF;
	s30 =	sshll.u32 s1, $0x5;
	_ =	swait.ge @!p0 [sflag:s9], $0xB90  }
0x17: {  	s16 =	smul.u32 $0x3100, s1;
	s12 =	sadd.s32 s3, s4;
	[sflag:s9] =	ssyncset.done @!p0 $0x0  }
0x18: {  	s3 =	sadd.s32 @!p0 $0x2F62, s7;
	s7 =	simm.s32 @!p0 $0xD000;
	[sflag:s9] =	ssyncadd.s32 @!p0 $0xFFFFF470  }
0x19: {  	[tilespmem:s7], [sflag:$0x2] =	stream.linear.gather @!p0 [hbm4b:s3+s10], $0xB90, $0x38;
	[tilespmem:$0xEC20] =	vst v63  }
0x1a: {  	s31 =	sshrl.u32 s16, $0x2;
	s2 =	simm.s32 $0xB9;
	_ =	swait.ge @!p0 [sflag:s9], $0xB90  }
0x1b: {  	s16 =	simm.s32 $0xD020;
	s2 =	simm.s32 @!p1 $0xC4;
	[sflag:s9] =	ssyncset.done @!p0 $0x0  }
0x1c: {  	s4 =	sadd.s32 $0x50F8, s4;
	s24 =	sand.u32 $0xFC, s2;
	[sflag:s9] =	ssyncadd.s32 @!p0 $0xFFFFF470  }
0x1d: {  	s17 =	sshrl.u32 s2, $0x2;
	s26 =	sor.u32 $0x1, s2;
	_ =	swait.ge [sflag:s14], $0xC380  }
0x1e: {  	p1 =	sne.s32 s24, s2;
	s28 =	sor.u32 $0x2, s24;
	[sflag:s14] =	ssyncset.done $0x0  }
0x1f: {  	p3 =	sne.s32 s17, $0x1;
	s17 =	sadd.s32 $0xFFFFFFFF, s17;
	[sflag:s14] =	ssyncadd.s32 $0xFFFF3C80  }
0x20: {  	s20 =	simm.s32 @!p1 $0x0;
	p1 =	slt.u32 s28, s2;
	_ =	swait.ge [sflag:s29], $0x80  }
0x21: {  	s19 =	simm.s32 @!p1 $0x0;
	s3 =	sadd.s32 $0xFFFFFFFF, s2;
	[sflag:s29] =	ssyncset.done $0x0  }
.Ltmp0:
0x22: {  	s25 =	smin.u32 s24, s3;
	[sflag:s29] =	ssyncadd.s32 $0xFFFFFF80;
	(pc) =	sbr.rel @!p3 .LBB2_1-.Ltmp0, $4  }
0x23: {  	p1 =	por $0x0, $0x0;
	s10 =	smin.u32 s26, s3;
	s15 =	sshll.u32 s25, $0x4;
	v4 =	vld [tilespmem:$0xE900]  }
0x24: {  	s7 =	smin.u32 s28, s3;
	s13 =	sshll.u32 s10, $0x4;
	s10 =	sadd.s32 s15, s5;
	v3 =	vld [tilespmem:$0xE910]  }
0x25: {  	s9 =	sadd.s32 s13, s5;
	s14 =	sshll.u32 s7, $0x4;
	s7 =	sadd.s32 s30, s6;
	v6 =	vld [tilespmem:s18+$0x10]  }
0x26: {  	v2 =	vimm.f32 $0.0e+00;
	v1 =	vmov s20;
	v0 =	vmov s19;
	s11 =	sadd.s32 s14, s5;
	s5 =	sadd.s32 $0x3A00, s12;
	s12 =	sor.u32 $0x20, s31;
	v7 =	vld [tilespmem:s18+$0xFFFFFFE0]  }
0x27: {  	_ =	sdelay $0x1  }
0x28: {  	v5 =	vld [tilespmem:s18+$0xFFFFFFF0]  }
0x29: {  	v8 =	vld [tilespmem:s18+$0x0]  }
0x2a: {  	v9 =	vld [tilespmem:s16+$0xFFFFFFE0]  }
0x2b: {  	v10 =	vld [tilespmem:s16+$0x10]  }
0x2c: {  	v11 =	vld [tilespmem:s16+$0xFFFFFFF0]  }
0x2d: {  	v12 =	vld [tilespmem:s16+$0x0]  }
0x2e: {  	v7 =	vld.idx.msk [tilespmem:v7+s8+$0x0], $0xffff  }
0x2f: {  	v6 =	vld.idx.msk [tilespmem:v6+s8+$0x0], $0xffff  }
0x30: {  	v5 =	vld.idx.msk [tilespmem:v5+s8+$0x0], $0xffff  }
0x31: {  	v13 =	vld.idx.msk [tilespmem:v8+s8+$0x0], $0xffff  }
0x32: {  	v9 =	vld.idx.msk [tilespmem:v9+s8+$0x0], $0xffff  }
0x33: {  	v7 =	vmul.f32 v7, v4  }
0x34: {  	p3 =	sne.s32 s17, $0x1;
	v14 =	vld.idx.msk [tilespmem:v11+s8+$0x0], $0xffff  }
.Ltmp1:
0x35: {  	v8 =	vld.idx.msk [tilespmem:v12+s8+$0x0], $0xffff;
	v7 =	vadd.f32 v7, v3;
	v11 =	vmul.f32 v5, v4;
	(pc) =	sbr.rel @!p3 .LBB2_3-.Ltmp1, $4  }
0x36: {  	v6 =	vmul.f32 v6, v4;
	v10 =	vld.idx.msk [tilespmem:v10+s8+$0x0], $0xffff  }
0x37: {  	s18 =	simm.s32 $0xC3E0;
	v5 =	vld [tilespmem:s12+$0xFFFFFFE0];
	v13 =	vmul.f32 v13, v4;
	v12 =	vmul.f32 v7, v9;
	v9 =	vadd.f32 v11, v3  }
0x38: {  	v7 =	vld [tilespmem:s18+$0xFFFFFFE0];
	v11 =	vadd.f32 v6, v3  }
0x39: {  	s20 =	sadd.s32 $0xFFFFFFFF, s17;
	p1 =	por $0x1, $0x1;
	v6 =	vld [tilespmem:s18+$0x10];
	v19 =	vmul.f32 $2.000000030e-01, v12;
	v20 =	vadd.f32 v13, v3;
	v16 =	vmul.f32 v9, v14  }
0x3a: {  	_ = 	snop  }
0x3b: {  	v9 =	vld [tilespmem:s18+$0x0]  }
0x3c: {  	v13 =	vld [tilespmem:s18+$0xFFFFFFF0];
	s19 =	simm.s32 $0xD060;
	v12 =	vmax.f32 v12, v19;
	v14 =	vmul.f32 $2.000000030e-01, v16;
	v8 =	vmul.f32 v20, v8  }
0x3d: {  	v15 =	vld [tilespmem:s19+$0x10];
	v12 =	vmul.f32 $1.442695020e+00, v12  }
0x3e: {  	v17 =	vld [tilespmem:s19+$0xFFFFFFE0];
	v10 =	vmul.f32 v11, v10;
	v14 =	vmax.f32 v16, v14;
	v16 =	vmul.f32 $2.000000030e-01, v8  }
0x3f: {  	v11 =	vld [tilespmem:s19+$0x0];
	v14 =	vmul.f32 $1.442695020e+00, v14;
	(erf) = vpow2.f32 v12  }
0x40: {  	v12 =	vld [tilespmem:s19+$0xFFFFFFF0];
	v8 =	vmax.f32 v8, v16;
	v16 =	vmul.f32 $2.000000030e-01, v10  }
0x41: {  	v7 =	vld.idx.msk [tilespmem:v7+s8+$0x0], $0xffff;
	v8 =	vmul.f32 $1.442695020e+00, v8;
	(erf) = vpow2.f32 v14  }
0x42: {  	v6 =	vld.idx.msk [tilespmem:v6+s8+$0x0], $0xffff;
	v10 =	vmax.f32 v10, v16  }
0x43: {  	v14 =	vld.idx.msk [tilespmem:v9+s8+$0x0], $0xffff;
	v9 =	vmul.f32 $1.442695020e+00, v10;
	(erf) = vpow2.f32 v8  }
0x44: {  	v16 =	vld [tilespmem:s12+$0x0]  }
0x45: {  	v8 =	vld.idx.msk [tilespmem:v13+s8+$0x0], $0xffff;
	(erf) = vpow2.f32 v9  }
0x46: {  	v10 =	vld [tilespmem:s12+$0xFFFFFFF0]  }
0x47: {  	v7 =	vmul.f32 v7, v4;
	v13 =	vld.idx.msk [tilespmem:v17+s8+$0x0], $0xffff  }
0x48: {  	v6 =	vmul.f32 v6, v4;
	v18 =	vld.idx.msk [tilespmem:v12+s8+$0x0], $0xffff;
	v12 =	vpop (erf)  }
0x49: {  	p3 =	sne.s32 s20, $0x1;
	v9 =	vld [tilespmem:s12+$0x10];
	v7 =	vadd.f32 v7, v3;
	v17 =	vmul.f32 v12, v5  }
.Ltmp2:
0x4a: {  	s18 =	simm.s32 $0xC420;
	v19 =	vmul.f32 v8, v4;
	v8 =	vld.idx.msk [tilespmem:v11+s8+$0x0], $0xffff;
	v20 =	vmul.f32 v14, v4;
	v11 =	vadd.f32 v6, v3;
	v14 =	vpop (erf);
	(pc) =	sbr.rel @!p3 .LBB2_6-.Ltmp2, $4  }
0x4b: {  	s17 =	sadd.s32 $0x40, s12;
	v6 =	vld [tilespmem:s18+$0x10];
	v21 =	vadd.f32 v12, v2;
	v17 =	vadd.f32 v17, v2;
	v22 =	vmul.f32 v14, v10  }
0x4c: {  	v5 =	vld [tilespmem:s17+$0xFFFFFFE0];
	v12 =	vmul.f32 v7, v13;
	v23 =	vadd.f32 v19, v3;
	v13 =	vpop (erf)  }
0x4d: {  	v10 =	vld.idx.msk [tilespmem:v15+s8+$0x0], $0xffff;
	v14 =	vadd.f32 v14, v21;
	v15 =	vadd.f32 v22, v17;
	v17 =	vmul.f32 v13, v16  }
0x4e: {  	s20 =	sadd.s32 $0xFFFFFFFF, s20;
	p2 =	por $0x1, $0x1;
	v7 =	vld [tilespmem:s18+$0xFFFFFFE0];
	v20 =	vadd.f32 v20, v3;
	v19 =	vmul.f32 $2.000000030e-01, v12;
	v16 =	vmul.f32 v23, v18;
	v18 =	vpop (erf)  }
.LBB2_5:
0x4f: {  	p3 =	sne.s32 s20, $0x1;
	v21 =	vld [tilespmem:s18+$0x0];
	v13 =	vadd.f32 v13, v14;
	v14 =	vadd.f32 v17, v15;
	v9 =	vmul.f32 v18, v9  }
0x50: {  	s19 =	sadd.s32 $0x40, s19;
	v15 =	vld [tilespmem:s18+$0xFFFFFFF0];
	v12 =	vmax.f32 v12, v19;
	v17 =	vmul.f32 $2.000000030e-01, v16;
	v8 =	vmul.f32 v20, v8  }
0x51: {  	v19 =	vld [tilespmem:s19+$0x10];
	v12 =	vmul.f32 $1.442695020e+00, v12;
	v13 =	vadd.f32 v18, v13;
	v14 =	vadd.f32 v9, v14  }
0x52: {  	v10 =	vmul.f32 v11, v10;
	v9 =	vld [tilespmem:s19+$0xFFFFFFE0];
	v16 =	vmax.f32 v16, v17;
	v17 =	vmul.f32 $2.000000030e-01, v8  }
0x53: {  	v11 =	vld [tilespmem:s19+$0x0];
	v16 =	vmul.f32 $1.442695020e+00, v16;
	(erf) = vpow2.f32 v12  }
0x54: {  	v12 =	vld [tilespmem:s19+$0xFFFFFFF0];
	v8 =	vmax.f32 v8, v17;
	v17 =	vmul.f32 $2.000000030e-01, v10  }
0x55: {  	v6 =	vld.idx.msk [tilespmem:v6+s8+$0x0], $0xffff;
	v8 =	vmul.f32 $1.442695020e+00, v8;
	(erf) = vpow2.f32 v16  }
0x56: {  	v7 =	vld.idx.msk [tilespmem:v7+s8+$0x0], $0xffff;
	v10 =	vmax.f32 v10, v17  }
0x57: {  	v16 =	vld.idx.msk [tilespmem:v21+s8+$0x0], $0xffff;
	v10 =	vmul.f32 $1.442695020e+00, v10;
	(erf) = vpow2.f32 v8  }
0x58: {  	v8 =	vld.idx.msk [tilespmem:v15+s8+$0x0], $0xffff  }
0x59: {  	v15 =	vld [tilespmem:s17+$0xFFFFFFF0];
	(erf) = vpow2.f32 v10  }
0x5a: {  	v10 =	vld.idx.msk [tilespmem:v9+s8+$0x0], $0xffff  }
0x5b: {  	v17 =	vld [tilespmem:s17+$0x0]  }
0x5c: {  	v7 =	vmul.f32 v7, v4;
	v18 =	vld.idx.msk [tilespmem:v12+s8+$0x0], $0xffff;
	v12 =	vpop (erf)  }
0x5d: {  	v6 =	vmul.f32 v6, v4;
	v20 =	vmul.f32 v12, v5;
	v9 =	vld [tilespmem:s17+$0x10]  }
.Ltmp3:
0x5e: {  	v22 =	vmul.f32 v16, v4;
	v7 =	vadd.f32 v7, v3;
	v21 =	vmul.f32 v8, v4;
	s17 =	sadd.s32 $0x40, s17;
	v8 =	vld.idx.msk [tilespmem:v11+s8+$0x0], $0xffff;
	v16 =	vpop (erf);
	(pc) =	sbr.rel @p3 .LBB2_5-.Ltmp3, $4  }
0x5f: {  	v23 =	vadd.f32 v12, v13;
	v5 =	vld [tilespmem:s17+$0xFFFFFFE0];
	v20 =	vadd.f32 v20, v14;
	v15 =	vmul.f32 v16, v15  }
0x60: {  	s18 =	sadd.s32 $0x40, s18;
	v11 =	vadd.f32 v6, v3;
	v12 =	vmul.f32 v7, v10;
	v21 =	vadd.f32 v21, v3;
	v10 =	vld.idx.msk [tilespmem:v19+s8+$0x0], $0xffff;
	v13 =	vpop (erf)  }
0x61: {  	v14 =	vadd.f32 v16, v23;
	v6 =	vld [tilespmem:s18+$0x10];
	v15 =	vadd.f32 v15, v20;
	v17 =	vmul.f32 v13, v17  }
0x62: {  	s20 =	sadd.s32 $0xFFFFFFFF, s20;
	v19 =	vmul.f32 $2.000000030e-01, v12;
	v16 =	vmul.f32 v21, v18;
	v20 =	vadd.f32 v22, v3;
	v7 =	vld [tilespmem:s18+$0xFFFFFFE0];
	v18 =	vpop (erf)  }
.LBB2_6:
0x63: {  	v21 =	vld [tilespmem:s18+$0x0]  }
0x64: {  	v22 =	vld [tilespmem:s18+$0xFFFFFFF0]  }
0x65: {  	v51 =	vld [tilespmem:s15+$0xC380]  }
0x66: {  	v53 =	vld [tilespmem:s13+$0xC380]  }
0x67: {  	v54 =	vld [tilespmem:s15+$0xD000]  }
0x68: {  	v55 =	vld [tilespmem:s14+$0xC380]  }
0x69: {  	s19 =	sadd.s32 @p1 $0x40, s19;
	v57 =	vld [tilespmem:s13+$0xD000]  }
0x6a: {  	v59 =	vld [tilespmem:s14+$0xD000];
	s16 =	smov.u32 @p1 s19  }
0x6b: {  	v23 =	vld [tilespmem:s16+$0x10]  }
0x6c: {  	v24 =	vld [tilespmem:s16+$0xFFFFFFE0]  }
0x6d: {  	v12 =	vmax.f32 @p1 v12, v19;
	v19 =	vmul.f32 @p1 $2.000000030e-01, v16;
	v8 =	vmul.f32 @p1 v20, v8;
	v25 =	vld [tilespmem:s16+$0x0]  }
0x6e: {  	v26 =	vld [tilespmem:s16+$0xFFFFFFF0]  }
0x6f: {  	v12 =	vmul.f32 @p1 $1.442695020e+00, v12;
	v6 =	vld.idx.msk [tilespmem:v6+s8+$0x0], $0xffff;
	v16 =	vmax.f32 @p1 v16, v19;
	v19 =	vmul.f32 @p1 $2.000000030e-01, v8  }
0x70: {  	v7 =	vld.idx.msk [tilespmem:v7+s8+$0x0], $0xffff  }
0x71: {  	(erf) = vpow2.f32 @p1 v12;
	v8 =	vmax.f32 @p1 v8, v19;
	v19 =	vld @p1 [tilespmem:s17+$0x10]  }
0x72: {  	v16 =	vmul.f32 @p1 $1.442695020e+00, v16;
	v48 =	vld.idx.msk [tilespmem:v21+s8+$0x0], $0xffff  }
0x73: {  	v10 =	vmul.f32 @p1 v11, v10;
	v8 =	vmul.f32 @p1 $1.442695020e+00, v8;
	v49 =	vld.idx.msk [tilespmem:v22+s8+$0x0], $0xffff  }
0x74: {  	v13 =	vadd.f32 @p2 v13, v14;
	v9 =	vmul.f32 @p2 v18, v9;
	(erf) = vpow2.f32 @p1 v16;
	v11 =	vld.idx.msk [tilespmem:v51+s8+$0x0], $0xffff  }
0x75: {  	v15 =	vadd.f32 @p2 v17, v15;
	(erf) = vpow2.f32 @p1 v8;
	v8 =	vmul.f32 @p1 $2.000000030e-01, v10;
	v17 =	vld.idx.msk [tilespmem:v53+s8+$0x0], $0xffff  }
0x76: {  	v13 =	vadd.f32 @p2 v18, v13;
	v18 =	vld.idx.msk [tilespmem:v55+s8+$0x0], $0xffff  }
0x77: {  	v9 =	vadd.f32 @p2 v9, v15;
	v16 =	vld @p1 [tilespmem:s17+$0xFFFFFFF0];
	v6 =	vmul.f32 v6, v4;
	v8 =	vmax.f32 @p1 v10, v8  }
0x78: {  	v13 =	vpsel p2, v13, v2;
	v7 =	vmul.f32 v7, v4;
	v50 =	vld.idx.msk [tilespmem:v24+s8+$0x0], $0xffff;
	v8 =	vmul.f32 @p1 $1.442695020e+00, v8  }
0x79: {  	v9 =	vpsel p2, v9, v2;
	v60 =	vld.idx.msk [tilespmem:v23+s8+$0x0], $0xffff;
	v20 =	vmul.f32 v49, v4;
	v12 =	vmul.f32 v48, v4  }
0x7a: {  	v52 =	vld.idx.msk [tilespmem:v26+s8+$0x0], $0xffff;
	v6 =	vadd.f32 v6, v3;
	v15 =	vpop @p1 (erf);
	(erf) = vpow2.f32 @p1 v8;
	v11 =	vmul.f32 v11, v4  }
0x7b: {  	v56 =	vld.idx.msk [tilespmem:v25+s8+$0x0], $0xffff;
	v7 =	vadd.f32 v7, v3;
	v23 =	vmul.f32 v17, v4;
	v26 =	vmul.f32 v18, v4  }
0x7c: {  	v10 =	vld.idx.msk [tilespmem:v54+s8+$0x0], $0xffff;
	v4 =	vpsel p1, v19, v0;
	v5 =	vmul.f32 @p1 v15, v5;
	v13 =	vadd.f32 @p1 v15, v13  }
0x7d: {  	v22 =	vld.idx.msk [tilespmem:v57+s8+$0x0], $0xffff;
	v7 =	vmul.f32 v7, v50;
	v58 =	vadd.f32 v20, v3;
	v12 =	vadd.f32 v12, v3  }
0x7e: {  	v15 =	vpop @p1 (erf);
	v6 =	vmul.f32 v6, v60;
	v11 =	vadd.f32 v11, v3;
	v25 =	vadd.f32 v23, v3  }
0x7f: {  	v5 =	vadd.f32 @p1 v5, v9;
	v9 =	vmul.f32 @p1 v15, v16;
	v14 =	vmul.f32 v58, v52  }
0x80: {  	v13 =	vadd.f32 @p1 v15, v13;
	v61 =	vmul.f32 $2.000000030e-01, v7;
	v12 =	vmul.f32 v12, v56  }
0x81: {  	v21 =	vld @p1 [tilespmem:s17+$0x0];
	v3 =	vadd.f32 v26, v3;
	v24 =	vmul.f32 $2.000000030e-01, v6;
	v10 =	vmul.f32 v11, v10  }
0x82: {  	v15 =	vld.idx.msk [tilespmem:v59+s8+$0x0], $0xffff;
	v8 =	vmul.f32 v25, v22;
	v5 =	vadd.f32 @p1 v9, v5;
	v13 =	vpsel p1, v13, v0  }
0x83: {  	v7 =	vmax.f32 v7, v61;
	v62 =	vmul.f32 $2.000000030e-01, v14;
	v63 =	vmul.f32 $2.000000030e-01, v12  }
0x84: {  	v6 =	vmax.f32 v6, v24;
	v28 =	vmul.f32 $2.000000030e-01, v10;
	v7 =	vmul.f32 $1.442695020e+00, v7  }
0x85: {  	v29 =	vmul.f32 $2.000000030e-01, v8;
	v6 =	vmul.f32 $1.442695020e+00, v6;
	v14 =	vmax.f32 v14, v62  }
0x86: {  	v9 =	vpop @p1 (erf);
	v5 =	vpsel p1, v5, v0;
	v14 =	vmul.f32 $1.442695020e+00, v14;
	(erf) = vpow2.f32 v7  }
0x87: {  	v20 =	vmul.f32 @p1 v9, v21;
	v12 =	vmax.f32 v12, v63;
	v3 =	vmul.f32 v3, v15  }
0x88: {  	v10 =	vmax.f32 v10, v28;
	v27 =	vmul.f32 $1.442695020e+00, v12;
	(erf) = vpow2.f32 v14  }
0x89: {  	s8 =	sadd.s32 @p1 $0x40, s17;
	v9 =	vpsel p1, v9, v0;
	v32 =	vmax.f32 v8, v29;
	v30 =	vmul.f32 $1.442695020e+00, v10  }
0x8a: {  	s12 =	smov.u32 @p1 s8;
	v11 =	vpop @p1 (erf);
	v9 =	vadd.f32 @p1 v9, v13;
	v33 =	vmul.f32 $2.000000030e-01, v3;
	(erf) = vpow2.f32 v27  }
0x8b: {  	v31 =	vld [tilespmem:s12+$0xFFFFFFE0];
	v20 =	vpsel p1, v20, v0;
	v11 =	vpsel p1, v11, v0;
	(erf) = vpow2.f32 v6  }
0x8c: {  	v3 =	vmax.f32 v3, v33;
	v6 =	vmul.f32 $1.442695020e+00, v32;
	(erf) = vpow2.f32 v30  }
0x8d: {  	v34 =	vld [tilespmem:s12+$0xFFFFFFF0];
	v5 =	vadd.f32 @p1 v20, v5;
	v4 =	vmul.f32 @p1 v11, v4;
	v3 =	vmul.f32 $1.442695020e+00, v3  }
0x8e: {  	v8 =	vadd.f32 @p1 v11, v9;
	(erf) = vpow2.f32 v6  }
0x8f: {  	v35 =	vld [tilespmem:s12+$0x0];
	v4 =	vadd.f32 @p1 v4, v5;
	v36 =	vpop (erf)  }
0x90: {  	v39 =	vld [tilespmem:s10+$0x0];
	v8 =	vpsel p1, v8, v2;
	(erf) = vpow2.f32 v3;
	v37 =	vmul.f32 v36, v31  }
0x91: {  	v38 =	vld [tilespmem:s12+$0x10];
	v2 =	vpsel p1, v4, v2;
	v6 =	vadd.f32 v36, v8;
	v3 =	vpop (erf)  }
0x92: {  	v2 =	vadd.f32 v37, v2;
	v7 =	vmul.f32 v3, v34  }
0x93: {  	v41 =	vld [tilespmem:s9+$0x0];
	v40 =	vpop (erf);
	v3 =	vadd.f32 v3, v6  }
0x94: {  	v5 =	vmul.f32 v40, v35;
	v42 =	vpop (erf);
	v2 =	vadd.f32 v7, v2  }
0x95: {  	v44 =	vld [tilespmem:s11+$0x0];
	v3 =	vadd.f32 v40, v3;
	v43 =	vpop (erf)  }
0x96: {  	v45 =	vmul.f32 v42, v38;
	v4 =	vmul.f32 v43, v39;
	v2 =	vadd.f32 v5, v2  }
0x97: {  	v46 =	vmul.f32 v43, v1;
	v47 =	vpop (erf);
	v3 =	vadd.f32 v42, v3  }
0x98: {  	v48 =	vmul.f32 v47, v41;
	v1 =	vmul.f32 v4, v1;
	v2 =	vadd.f32 v45, v2  }
0x99: {  	v49 =	vmul.f32 $0.0e+00, v47;
	v3 =	vadd.f32 v46, v3;
	v50 =	vpop (erf)  }
0x9a: {  	v51 =	vmul.f32 v50, v44;
	v1 =	vadd.f32 v1, v2;
	v2 =	vmul.f32 $0.0e+00, v48  }
0x9b: {  	v52 =	vmul.f32 v50, v0;
	v3 =	vadd.f32 v49, v3  }
0x9c: {  	v0 =	vmul.f32 v51, v0;
	v1 =	vadd.f32 v2, v1  }
0x9d: {  	v2 =	vadd.f32 v52, v3  }
0x9e: {  	v0 =	vadd.f32 v0, v1  }
0x9f: {  	(xrf2) =	vadd.scan.msk.f32 $0xffff, v2  }
0xa0: {  	(xrf2) =	vadd.scan.msk.f32 $0xffff, v0;
	_ =	sdelay $0x8  }
0xa1: {  	v0, _, _ =	vpop (xrf2)  }
0xa2: {  	v0 =	vbroadcast v0, $0xF;
	v1, _, _ =	vpop (xrf2)  }
0xa3: {  	v1 =	vbroadcast v1, $0xF  }
0xa4: {  	[tilespmem:$0xE980] =	vst v0  }
0xa5: {  	s29 =	simm.s32 $0xE980;
	s30 =	simm.s32 $0x4;
	[tilespmem:$0xE990] =	vst v1  }
0xa6: {  	[spmem:s7] =	stream.linear.scatter [tilespmem:s29], [sflag:$0x4], $0x20, $0x38;
	[tilespmem:$0xEC20] =	vst v63  }
0xa7: {  	_ =	swait.ge [sflag:s30], $0x20  }
0xa8: {  	[sflag:s30] =	ssyncset.done $0x0  }
0xa9: {  	[sflag:s30] =	ssyncadd.s32 $0xFFFFFFE0  }
0xaa: {  	s31 =	simm.s32 $0xEA00;
	[bflag:$0x0] =	sbarrier.arrive $0xFFFF  }
0xab: {  	[tilespmem:s31], [sflag:$0x4] =	stream.linear.gather [spmem:s6], $0x200, $0x38;
	[tilespmem:$0xEC20] =	vst v63  }
0xac: {  	_ =	swait.ge [sflag:s30], $0x200  }
0xad: {  	[sflag:s30] =	ssyncset.done $0x0  }
0xae: {  	[sflag:s30] =	ssyncadd.s32 $0xFFFFFE00  }
0xaf: {  	v0 =	vld [tilespmem:$0xEA00]  }
0xb0: {  	v1 =	vld [tilespmem:$0xEA20];
	_ =	sdelay $0x1  }
0xb1: {  	v2 =	vld [tilespmem:$0xEA40];
	_ =	sdelay $0x1  }
0xb2: {  	v3 =	vld [tilespmem:$0xEA60]  }
0xb3: {  	v0 =	vadd.f32 v1, v0  }
0xb4: {  	v1 =	vld [tilespmem:$0xEA80]  }
0xb5: {  	v53 =	vld [tilespmem:$0xEA10];
	v0 =	vadd.f32 v2, v0  }
0xb6: {  	v2 =	vld [tilespmem:$0xEAA0]  }
0xb7: {  	v54 =	vld [tilespmem:$0xEA30];
	v0 =	vadd.f32 v3, v0  }
0xb8: {  	v3 =	vld [tilespmem:$0xEAC0]  }
0xb9: {  	v55 =	vld [tilespmem:$0xEA50];
	v0 =	vadd.f32 v1, v0  }
0xba: {  	v1 =	vld [tilespmem:$0xEAE0]  }
0xbb: {  	v56 =	vld [tilespmem:$0xEA70];
	v0 =	vadd.f32 v2, v0  }
0xbc: {  	v2 =	vld [tilespmem:$0xEB00]  }
0xbd: {  	v57 =	vld [tilespmem:$0xEA90];
	v4 =	vadd.f32 v54, v53;
	v0 =	vadd.f32 v3, v0  }
0xbe: {  	v3 =	vld [tilespmem:$0xEB20]  }
0xbf: {  	v58 =	vld [tilespmem:$0xEAB0];
	v4 =	vadd.f32 v55, v4;
	v0 =	vadd.f32 v1, v0  }
0xc0: {  	v1 =	vld [tilespmem:$0xEB40]  }
0xc1: {  	v59 =	vld [tilespmem:$0xEAD0];
	v4 =	vadd.f32 v56, v4;
	v0 =	vadd.f32 v2, v0  }
0xc2: {  	v2 =	vld [tilespmem:$0xEB60]  }
0xc3: {  	v60 =	vld [tilespmem:$0xEAF0];
	v4 =	vadd.f32 v57, v4;
	v0 =	vadd.f32 v3, v0  }
0xc4: {  	v3 =	vld [tilespmem:$0xEB80]  }
0xc5: {  	v61 =	vld [tilespmem:$0xEB10];
	v4 =	vadd.f32 v58, v4;
	v0 =	vadd.f32 v1, v0  }
0xc6: {  	v1 =	vld [tilespmem:$0xEBA0]  }
0xc7: {  	v62 =	vld [tilespmem:$0xEB30];
	v4 =	vadd.f32 v59, v4;
	v0 =	vadd.f32 v2, v0  }
0xc8: {  	v2 =	vld [tilespmem:$0xEBC0]  }
0xc9: {  	v63 =	vld [tilespmem:$0xEB50];
	v4 =	vadd.f32 v60, v4;
	v0 =	vadd.f32 v3, v0  }
0xca: {  	v3 =	vld [tilespmem:$0xEBE0]  }
0xcb: {  	v4 =	vadd.f32 v61, v4;
	v0 =	vadd.f32 v1, v0  }
0xcc: {  	v1 =	vld [tilespmem:$0xEB70]  }
0xcd: {  	v4 =	vadd.f32 v62, v4;
	v0 =	vadd.f32 v2, v0  }
0xce: {  	v2 =	vld [tilespmem:$0xEB90]  }
0xcf: {  	v4 =	vadd.f32 v63, v4;
	v0 =	vadd.f32 v3, v0  }
0xd0: {  	v3 =	vld [tilespmem:$0xEBB0]  }
0xd1: {  	v1 =	vadd.f32 v1, v4;
	(erf) = vrcp.f32 v0  }
0xd2: {  	v0 =	vld [tilespmem:$0xEBD0]  }
0xd3: {  	v1 =	vadd.f32 v2, v1  }
0xd4: {  	v2 =	vld [tilespmem:$0xEBF0]  }
0xd5: {  	v1 =	vadd.f32 v3, v1;
	_ =	sdelay $0x1  }
0xd6: {  	v0 =	vadd.f32 v0, v1  }
0xd7: {  	p1 =	sne.s32 s2, $0x1  }
.Ltmp4:
0xd8: {  	v0 =	vadd.f32 v2, v0;
	(pc) =	sbr.rel @!p1 .LBB2_8-.Ltmp4, $4  }
0xd9: {  	v1 =	vpop (erf)  }
0xda: {  	v0 =	vmul.f32 v1, v0  }
0xdb: {  	s6 =	simm.s32 $0xDC80  }
0xdc: {  	[tilespmem:s6+$0x0] =	vst v0  }
.LBB2_7:
0xdd: {  	p1 =	sne.s32 s3, $0x1  }
.Ltmp5:
0xde: {  	_ = 	snop;
	(pc) =	sbr.rel @p1 .LBB2_7-.Ltmp5, $3  }
0xdf: {  	_ =	sdelay $0x1  }
0xe0: {  	s3 =	sadd.s32 $0xFFFFFFFF, s3;
	s6 =	sadd.s32 $0x10, s6  }
0xe1: {  	[tilespmem:s6+$0x0] =	vst v0  }
.LBB2_8:
0xe2: {  	s2 =	simm.s32 @p0 $0x0;
	s3 =	simm.s32 @p0 $0xDC80  }
0xe3: {  	[hbm4b:s5+s2] =	stream.linear.scatter @p0 [tilespmem:s3], [sflag:$0x4], $0xC40, $0x38;
	[tilespmem:$0xEC20] =	vst v63  }
0xe4: {  	s2 =	simm.s32 @p0 $0x4  }
0xe5: {  	_ =	swait.ge @p0 [sflag:s2], $0xC40  }
0xe6: {  	[sflag:s2] =	ssyncset.done @p0 $0x0  }
0xe7: {  	s3 =	simm.s32 @!p0 $0xDC80;
	[sflag:s2] =	ssyncadd.s32 @p0 $0xFFFFF3C0;
	s2 =	simm.s32 @!p0 $0x0  }
0xe8: {  	[hbm4b:s4+s2] =	stream.linear.scatter @!p0 [tilespmem:s3], [sflag:$0x4], $0xB90, $0x38;
	[tilespmem:$0xEC20] =	vst v63  }
0xe9: {  	s2 =	simm.s32 @!p0 $0x4  }
0xea: {  	_ =	swait.ge @!p0 [sflag:s2], $0xB90  }
0xeb: {  	[sflag:s2] =	ssyncset.done @!p0 $0x0  }
0xec: {  	[sflag:s2] =	ssyncadd.s32 @!p0 $0xFFFFF470  }
0xed: {  	_ =	sfence.sel $0x180000  }
0xee: {  	[bflag:$0x0] =	sbarrier.arrive $0xFFFF  }
0xef: {  	p0 =	sne.s32 s1, $0x0;
	_ =	strace $0x90000047  }
0xf0: {  	s0 =	sadd.s32 @!p0 $0x100000, s0;
	[bflag:$0x2] =	sbarrier.arrive $0xFFFF  }
0xf1: {  	[sflag:s0] =	ssyncadd.tile.s32 @!p0 $0x1;
	_ =	shalt  }
.LBB2_1:
.Ltmp6:
0xf2: {  	(pc) =	sbr.rel .LBB2_6-.Ltmp6, $2  }
0xf3: {  	_ =	sdelay $0x2  }
0xf4: {  	s19 =	simm.s32 $0xD020;
	s17 =	smov.u32 s12  }
.LBB2_3:
.Ltmp7:
0xf5: {  	(pc) =	sbr.rel .LBB2_6-.Ltmp7, $2  }
0xf6: {  	_ =	sdelay $0x2  }
0xf7: {  	s19 =	simm.s32 $0xD020;
	s17 =	smov.u32 s12  }
.Lfunc_end2:
_tile_overlayer_lowered:
.L_overlay_start_2:
0xf8: {  	(tag) =	ssettag $0x2  }
0xf9: {  	s0 =	rddreg [dreg:$0x0];
	s2 =	stileid.u32  }
0xfa: {  	s1 =	rddreg [dreg:$0x1];
	p0 =	sne.s32 s2, $0x0  }
0xfb: {  	s3 =	rddreg [dreg:$0x2];
	[bflag:$0x3] =	sbarrier.arrive $0xFFFF;
	s2 =	simm.s32 @!p0 $0x1C04  }
0xfc: {  	[timem:s3], [sflag:s2] =	dma.local @!p0 [hbm:s0], s1  }
0xfd: {  	s0 =	simm.s32 @!p0 $0x4  }
0xfe: {  	_ =	swait.ge @!p0 [sflag:s0], s1  }
0xff: {  	s1 =	ssub.s32 @!p0 $0x0, s1;
	[sflag:s0] =	ssyncset.done @!p0 $0x0  }
0x100: {  	[sflag:s0] =	ssyncadd.s32 @!p0 s1  }
0x101: {  	[bflag:$0x3] =	sbarrier.arrive $0xFFFF  }
0x102: {  	_ =	shalt  }

</sc_bundles>
